<compile_context>
chip_gen: v7x
topology: tpu7x:2x2x1
jax: 0.10.2.dev20260603
libtpu: 0.0.44.dev20260713+nightly
codegen_flags: <defaults>
</compile_context>

<pallas_src>
import functools

import jax
import jax.numpy as jnp
from jax.experimental import pallas as pl
from jax.experimental.pallas import tpu as pltpu, tpu_sc as plsc

VQN = 512
VQD = 64
NGROUPS = 16
NCARD = 8
EMA_ALPHA = 0.99
EPS = 1e-5


def _conv_rows(x, w_taps, k):
    T = x.shape[0]
    pad = k // 2
    xp = jnp.pad(x.astype(jnp.bfloat16), ((pad, pad), (0, 0)))
    acc = jax.lax.dot_general(
        xp[0:T, :], w_taps[0].astype(jnp.bfloat16),
        (((1,), (0,)), ((), ())), preferred_element_type=jnp.float32)
    for dt in range(1, k):
        acc = acc + jax.lax.dot_general(
            xp[dt:dt + T, :], w_taps[dt].astype(jnp.bfloat16),
            (((1,), (0,)), ((), ())), preferred_element_type=jnp.float32)
    return acc


def _conv_rows_im2col(x, w_taps, k):
    T, Cin = x.shape
    pad = k // 2
    xp = jnp.pad(x.astype(jnp.bfloat16), ((pad, pad), (0, 0)))
    xs = jnp.concatenate([xp[dt:dt + T, :] for dt in range(k)], axis=1)
    wf = w_taps[...].reshape(k * Cin, w_taps.shape[2]).astype(jnp.bfloat16)
    return jax.lax.dot_general(xs, wf, (((1,), (0,)), ((), ())),
                               preferred_element_type=jnp.float32)


def _gn_rows(h, g, b, egrp):
    T, C = h.shape
    hp = jax.lax.Precision.HIGHEST
    ht = h.T
    xg = ht.reshape(NGROUPS, C // NGROUPS, T)
    m3 = jnp.mean(xg, axis=(1, 2), keepdims=True)
    v3 = jnp.mean((xg - m3) ** 2, axis=(1, 2), keepdims=True)
    m_row = m3.reshape(NGROUPS, 1).T
    v_row = v3.reshape(NGROUPS, 1).T
    m_c = jax.lax.dot_general(m_row, egrp, (((1,), (1,)), ((), ())),
                              precision=hp,
                              preferred_element_type=jnp.float32)
    v_c = jax.lax.dot_general(v_row, egrp, (((1,), (1,)), ((), ())),
                              precision=hp,
                              preferred_element_type=jnp.float32)
    return (h - m_c) / jnp.sqrt(v_c + EPS) * g[None, :] + b[None, :]


def _maxpool2_rows(h):
    T, C = h.shape
    return jnp.max(h.reshape(T // 2, 2, C), axis=1)


def _upsample2_rows(h):
    T, C = h.shape
    return jnp.broadcast_to(h[:, None, :], (T, 2, C)).reshape(2 * T, C)


def _encoder_body(x_ref, w0t_ref, g0_ref, b0_ref, wxd_ref, gx_ref, bx_ref,
                  w2t_ref, egrp_ref, out_ref):
    egrp = egrp_ref[...]
    g0 = g0_ref[...]
    b0 = b0_ref[...]
    gx = gx_ref[...]
    bx = bx_ref[...]

    for i in range(x_ref.shape[0]):
        xt = x_ref[i].T
        h = _conv_rows_im2col(xt, w0t_ref, 5)
        h = jax.nn.relu(_gn_rows(h, g0, b0, egrp))
        h = jax.nn.relu(h + _gn_rows(_conv_rows_im2col(h, wxd_ref, 3),
                                     gx, bx, egrp))
        h = _maxpool2_rows(h)
        h = jax.nn.relu(h + _gn_rows(_conv_rows_im2col(h, wxd_ref, 3),
                                     gx, bx, egrp))
        h = _maxpool2_rows(h)
        out_ref[i] = _conv_rows_im2col(h, w2t_ref, 3)


def _argmin_body(h2_ref, g2_ref, b2_ref, w_ref, zaug_ref, idx_ref):
    B, Tq, C = h2_ref.shape
    N = B * Tq
    h2 = h2_ref[...]
    h2t = jnp.transpose(h2, (0, 2, 1))
    m3 = jnp.mean(h2t, axis=(0, 2), keepdims=True)
    v3 = jnp.mean((h2t - m3) ** 2, axis=(0, 2), keepdims=True)
    m = m3.reshape(C, 1).T
    v = v3.reshape(C, 1).T
    Z0 = h2.reshape(N, C)
    Z = ((Z0 - m) / jnp.sqrt(v + EPS) * g2_ref[...][None, :]
         + b2_ref[...][None, :])

    w = w_ref[...]
    hp = jax.lax.Precision.HIGHEST
    zz = jnp.sum(Z * Z, axis=1, keepdims=True)
    zw = jax.lax.dot_general(Z.astype(jnp.bfloat16), w.astype(jnp.bfloat16),
                             (((1,), (1,)), ((), ())),
                             preferred_element_type=jnp.float32)
    ww = jax.lax.dot_general(jnp.ones((1, C), jnp.float32), w * w,
                             (((1,), (1,)), ((), ())), precision=hp,
                             preferred_element_type=jnp.float32)
    dist = zz - 2.0 * zw + ww
    amin = jnp.min(dist, axis=1, keepdims=True)
    lane = jax.lax.broadcasted_iota(jnp.int32, (N, VQN), 1)
    idx = jnp.min(jnp.where(dist == amin, lane, jnp.int32(2 ** 30)),
                  axis=1, keepdims=True)
    idx_ref[...] = idx

    alane = jax.lax.broadcasted_iota(jnp.int32, (N, AW), 1)
    zaug_ref[...] = (jnp.pad(Z, ((0, 0), (0, AW - C)))
                     + (alane == C).astype(jnp.float32))


def _ema_body(parts_ref, w_ref, c_ref, wpad_ref):
    acc = parts_ref[0] + parts_ref[1]
    counts = acc[:, VQD:VQD + 1]
    sums = acc[:, :VQD]
    w = w_ref[...]
    c = c_ref[...]
    mask = counts > 0
    c_new = jnp.where(mask, EMA_ALPHA * c + (1.0 - EMA_ALPHA) * counts, c)
    w_new = jnp.where(
        mask,
        EMA_ALPHA * w + (1.0 - EMA_ALPHA) * sums / jnp.maximum(c_new, 1e-12),
        w)
    wpad_ref[...] = jnp.pad(w_new, ((0, 0), (0, AW - VQD)))


NTOK = 4096
AW = 128
SPP = 2
SC_NC = 2
SC_NS = 16
SC_NW = SC_NC * SC_NS
SC_RPW = NTOK // SC_NW
SC_CPS = VQN // SC_NS

_sc_mesh = plsc.VectorSubcoreMesh(core_axis_name="c", subcore_axis_name="s")


@functools.partial(
    pl.kernel, mesh=_sc_mesh,
    out_type=jax.ShapeDtypeStruct((SC_NC, VQN, AW), jnp.float32),
    scratch_types=[
        pltpu.VMEM((SC_RPW,), jnp.int32),
        pltpu.VMEM((SC_RPW, AW), jnp.float32),
        pltpu.VMEM((SC_CPS, AW), jnp.float32),
        pltpu.VMEM_SHARED((VQN, AW), jnp.float32),
        pltpu.SemaphoreType.DMA,
    ],
)
def _sc_scatter_add(idx_hbm, zaug_hbm, zero_hbm, out_hbm,
                    idx_v, zaug_v, acc_v, acc_sh, sem):
    cid = jax.lax.axis_index("c")
    sid = jax.lax.axis_index("s")
    wid = sid * SC_NC + cid

    pltpu.sync_copy(zero_hbm.at[pl.ds(sid * SC_CPS, SC_CPS)],
                    acc_sh.at[pl.ds(sid * SC_CPS, SC_CPS)])
    plsc.subcore_barrier()

    base = wid * SC_RPW
    pltpu.sync_copy(idx_hbm.at[pl.ds(base, SC_RPW)], idx_v)
    pltpu.sync_copy(zaug_hbm.at[pl.ds(base, SC_RPW)], zaug_v)
    pltpu.sync_copy(zaug_v, acc_sh.at[idx_v], add=True)
    plsc.subcore_barrier()

    pltpu.sync_copy(acc_sh.at[pl.ds(sid * SC_CPS, SC_CPS)], acc_v)
    pltpu.sync_copy(acc_v, out_hbm.at[cid].at[pl.ds(sid * SC_CPS, SC_CPS)])


@functools.partial(
    pl.kernel, mesh=_sc_mesh,
    out_type=jax.ShapeDtypeStruct((NTOK, AW), jnp.float32),
    scratch_types=[
        pltpu.VMEM((SC_RPW,), jnp.int32),
        pltpu.VMEM((SC_RPW, AW), jnp.float32),
        pltpu.SemaphoreType.DMA,
    ],
)
def _sc_gather(table_hbm, idx_hbm, out_hbm, idx_v, rows_v, sem):
    cid = jax.lax.axis_index("c")
    sid = jax.lax.axis_index("s")
    wid = sid * SC_NC + cid
    base = wid * SC_RPW
    pltpu.sync_copy(idx_hbm.at[pl.ds(base, SC_RPW)], idx_v)
    pltpu.async_copy(table_hbm.at[idx_v], rows_v, sem).wait()
    pltpu.sync_copy(rows_v, out_hbm.at[pl.ds(base, SC_RPW)])


def _decoder_body(zaug_ref, wj_ref, wd2t_ref, gd2_ref, bd2_ref, wd1at_ref,
                  gd1a_ref, bd1a_ref, wd1bt_ref, gd1b_ref, bd1b_ref,
                  wd0t_ref, bd0_ref, egrp_ref, out_ref, commit_ref):
    egrp = egrp_ref[...]
    gd2 = gd2_ref[...]
    bd2 = bd2_ref[...]
    gd1a = gd1a_ref[...]
    bd1a = bd1a_ref[...]
    gd1b = gd1b_ref[...]
    bd1b = bd1b_ref[...]

    def deres1(t):
        o = jax.nn.relu(_gn_rows(_conv_rows_im2col(t, wd1at_ref, 3),
                                 gd1a, bd1a, egrp))
        o = _gn_rows(_conv_rows_im2col(o, wd1bt_ref, 3), gd1b, bd1b, egrp)
        return jax.nn.relu(t + o)

    b = pl.program_id(0)
    nb = pl.num_programs(0)

    @pl.when(b == 0)
    def _():
        commit_ref[...] = jnp.zeros((1, 1), jnp.float32)

    part = jnp.zeros((), jnp.float32)
    for i in range(zaug_ref.shape[0]):
        z = zaug_ref[i][:, :VQD]
        hq = wj_ref[i][:, :VQD]
        dz = z - hq
        part = part + jnp.sum(dz * dz)

        t = jax.nn.relu(_gn_rows(_conv_rows_im2col(hq, wd2t_ref, 3),
                                 gd2, bd2, egrp))
        t = _upsample2_rows(t)
        t = deres1(t)
        t = _upsample2_rows(t)
        t = deres1(t)
        r = (_conv_rows_im2col(t, wd0t_ref, 5)
             + bd0_ref[...][None, :])
        out_ref[i] = r.T

    commit_ref[...] += part.reshape(1, 1)

    @pl.when(b == nb - 1)
    def _():
        commit_ref[...] = commit_ref[...] / NTOK


def _full(bspec):
    return pl.BlockSpec(bspec, lambda *_: (0,) * len(bspec))


def _block_diag_taps(wx):
    co, ci_g, k = wx.shape
    gsz = ci_g
    ngr = co // gsz
    wt = jnp.transpose(wx, (2, 0, 1))
    out = jnp.zeros((k, co, co), jnp.float32)
    for g in range(ngr):
        blk = jnp.transpose(wt[:, g * gsz:(g + 1) * gsz, :], (0, 2, 1))
        out = jax.lax.dynamic_update_slice(out, blk, (0, g * gsz, g * gsz))
    return out


def kernel(x, W0, g0, b0, Wx, gx, bx, W2, g2, b2, Wd2, gd2, bd2, Wd1a, gd1a,
           bd1a, Wd1b, gd1b, bd1b, Wd0, bd0, dict_val, dict_cnt):
    B, Cx, T = x.shape
    Tq = T // 4

    w0t = jnp.transpose(W0, (2, 1, 0))
    wxd = _block_diag_taps(Wx)
    w2t = jnp.transpose(W2, (2, 1, 0))
    wd2t = jnp.transpose(Wd2, (2, 0, 1))
    wd1at = jnp.transpose(Wd1a, (2, 0, 1))
    wd1bt = jnp.transpose(Wd1b, (2, 0, 1))
    wd0t = jnp.transpose(Wd0, (2, 0, 1))
    ch = jax.lax.broadcasted_iota(jnp.int32, (256, NGROUPS), 0)
    gr = jax.lax.broadcasted_iota(jnp.int32, (256, NGROUPS), 1)
    egrp = (ch // (256 // NGROUPS) == gr).astype(jnp.float32)

    h2 = pl.pallas_call(
        _encoder_body,
        grid=(B // SPP,),
        in_specs=[
            pl.BlockSpec((SPP, Cx, T), lambda b: (b, 0, 0)),
            _full((5, Cx, 256)), _full((256,)), _full((256,)),
            _full((3, 256, 256)), _full((256,)), _full((256,)),
            _full((3, 256, VQD)), _full((256, NGROUPS)),
        ],
        out_specs=pl.BlockSpec((SPP, Tq, VQD), lambda b: (b, 0, 0)),
        out_shape=jax.ShapeDtypeStruct((B, Tq, VQD), jnp.float32),
    )(x, w0t, g0, b0, wxd, gx, bx, w2t, egrp)

    zaug, idxm = pl.pallas_call(
        _argmin_body,
        in_specs=[
            _full((B, Tq, VQD)), _full((VQD,)), _full((VQD,)),
            _full((VQN, VQD)),
        ],
        out_specs=[_full((NTOK, AW)), _full((NTOK, 1))],
        out_shape=[
            jax.ShapeDtypeStruct((NTOK, AW), jnp.float32),
            jax.ShapeDtypeStruct((NTOK, 1), jnp.int32),
        ],
    )(h2, g2, b2, dict_val)

    idxf = idxm.reshape(NTOK)
    parts = _sc_scatter_add(idxf, zaug, jnp.zeros((VQN, AW), jnp.float32))

    wpad = pl.pallas_call(
        _ema_body,
        in_specs=[
            _full((SC_NC, VQN, AW)), _full((VQN, VQD)), _full((VQN, 1)),
        ],
        out_specs=_full((VQN, AW)),
        out_shape=jax.ShapeDtypeStruct((VQN, AW), jnp.float32),
    )(parts, dict_val, dict_cnt.reshape(VQN, 1))

    wj = _sc_gather(wpad, idxf)

    recon, commit = pl.pallas_call(
        _decoder_body,
        grid=(B // SPP,),
        in_specs=[
            pl.BlockSpec((SPP, Tq, AW), lambda b: (b, 0, 0)),
            pl.BlockSpec((SPP, Tq, AW), lambda b: (b, 0, 0)),
            _full((3, VQD, 256)), _full((256,)), _full((256,)),
            _full((3, 256, 256)), _full((256,)), _full((256,)),
            _full((3, 256, 256)), _full((256,)), _full((256,)),
            _full((5, 256, Cx)), _full((Cx,)), _full((256, NGROUPS)),
        ],
        out_specs=[pl.BlockSpec((SPP, Cx, T), lambda b: (b, 0, 0)),
                   _full((1, 1))],
        out_shape=[jax.ShapeDtypeStruct((B, Cx, T), jnp.float32),
                   jax.ShapeDtypeStruct((1, 1), jnp.float32)],
    )(zaug.reshape(B, Tq, AW), wj.reshape(B, Tq, AW), wd2t, gd2, bd2,
      wd1at, gd1a, bd1a, wd1bt, gd1b, bd1b, wd0t, bd0, egrp)

    return recon, commit[0, 0]

# --- scband reference (transcript-rebuilt; emitter-appended) ---
"""Pipeline reference for scband-spk-vq-vae-resnet-1915555414438 (READ-ONLY COPY).

The authoritative reference and input builder live on the scoring server;
editing this copy changes nothing except your own understanding.
"""

import jax, jax.numpy as jnp
import numpy as np

VQ_NUM = 512
VQ_DIM = 64
NG = 16
CARD = 8
ALPHA = 0.99

def conv1d(x, w, groups=1):
    return jax.lax.conv_general_dilated(x, w, (1,), 'SAME', dimension_numbers=('NCH', 'OIH', 'NCH'), feature_group_count=groups)

def convt1d(x, w):
    return jax.lax.conv_transpose(x, w, (1,), 'SAME', dimension_numbers=('NCH', 'IOH', 'NCH'))

def group_norm(x, g, b, groups, eps=1e-5):
    B, C, T = x.shape
    xg = x.reshape(B, groups, C // groups, T)
    m = xg.mean(axis=(2, 3), keepdims=True)
    v = xg.var(axis=(2, 3), keepdims=True)
    xg = (xg - m) / jnp.sqrt(v + eps)
    return xg.reshape(B, C, T) * g[None, :, None] + b[None, :, None]

def batch_norm(x, g, b, eps=1e-5):
    m = x.mean(axis=(0, 2), keepdims=True)
    v = x.var(axis=(0, 2), keepdims=True)
    return (x - m) / jnp.sqrt(v + eps) * g[None, :, None] + b[None, :, None]

def maxpool2(x):
    B, C, T = x.shape
    return x.reshape(B, C, T // 2, 2).max(axis=3)

def upsample2(x):
    return jnp.repeat(x, 2, axis=2)

def setup_inputs(seed: int = 0):
    key = jax.random.key(seed)
    ks = jax.random.split(key, 16)
    d = {}
    d['x'] = jax.random.normal(ks[0], (16, 80, 1024), dtype=jnp.float32)
    d['W0'] = jax.random.normal(ks[1], (256, 80, 5), dtype=jnp.float32) * 0.05
    d['g0'] = jnp.ones((256,), jnp.float32); d['b0'] = jnp.zeros((256,), jnp.float32)
    d['Wx'] = jax.random.normal(ks[2], (256, 32, 3), dtype=jnp.float32) * 0.05
    d['gx'] = jnp.ones((256,), jnp.float32); d['bx'] = jnp.zeros((256,), jnp.float32)
    d['W2'] = jax.random.normal(ks[3], (64, 256, 3), dtype=jnp.float32) * 0.05
    d['g2'] = jnp.ones((64,), jnp.float32); d['b2'] = jnp.zeros((64,), jnp.float32)
    d['Wd2'] = jax.random.normal(ks[4], (64, 256, 3), dtype=jnp.float32) * 0.05
    d['gd2'] = jnp.ones((256,), jnp.float32); d['bd2'] = jnp.zeros((256,), jnp.float32)
    d['Wd1a'] = jax.random.normal(ks[5], (256, 256, 3), dtype=jnp.float32) * 0.05
    d['gd1a'] = jnp.ones((256,), jnp.float32); d['bd1a'] = jnp.zeros((256,), jnp.float32)
    d['Wd1b'] = jax.random.normal(ks[6], (256, 256, 3), dtype=jnp.float32) * 0.05
    d['gd1b'] = jnp.ones((256,), jnp.float32); d['bd1b'] = jnp.zeros((256,), jnp.float32)
    d['Wd0'] = jax.random.normal(ks[7], (256, 80, 5), dtype=jnp.float32) * 0.05
    d['bd0'] = jnp.zeros((80,), jnp.float32)
    d['dict_val'] = jax.random.uniform(ks[8], (VQ_NUM, VQ_DIM), minval=-1.0 / VQ_DIM, maxval=1.0 / VQ_DIM, dtype=jnp.float32)
    d['dict_cnt'] = jnp.zeros((VQ_NUM,), jnp.float32)
    return d

def _encoder(x, W0, g0, b0, Wx, gx, bx, W2, g2, b2):
    h = jax.nn.relu(group_norm(conv1d(x, W0), g0, b0, NG))
    def resx(t):
        return jax.nn.relu(t + group_norm(conv1d(t, Wx, groups=CARD), gx, bx, NG))
    h = resx(h)
    h = maxpool2(h)
    h = resx(h)
    h = maxpool2(h)
    h = batch_norm(conv1d(h, W2), g2, b2)
    return h

def _decoder(h, Wd2, gd2, bd2, Wd1a, gd1a, bd1a, Wd1b, gd1b, bd1b, Wd0, bd0):
    def deres1(t):
        o = jax.nn.relu(group_norm(convt1d(t, Wd1a), gd1a, bd1a, NG))
        o = group_norm(convt1d(o, Wd1b), gd1b, bd1b, NG)
        return jax.nn.relu(t + o)
    h = jax.nn.relu(group_norm(convt1d(h, Wd2), gd2, bd2, NG))
    h = upsample2(h)
    h = deres1(h)
    h = upsample2(h)
    h = deres1(h)
    return convt1d(h, Wd0) + bd0[None, :, None]

def _ewa(Z, w, c):
    Zd = jax.lax.stop_gradient(Z)
    dist = (Zd * Zd).sum(1)[:, None] - 2.0 * (Zd @ w.T) + (w * w).sum(1)[None, :]
    i = jnp.argmin(dist, axis=1)
    counts = jnp.bincount(i, length=VQ_NUM).astype(jnp.float32)
    mask = counts > 0
    c_new = jnp.where(mask, ALPHA * c + (1.0 - ALPHA) * counts, c)
    sums = jax.ops.segment_sum(Zd, i, num_segments=VQ_NUM)
    w_new = jnp.where(mask[:, None], ALPHA * w + (1.0 - ALPHA) * sums / jnp.maximum(c_new, 1e-12)[:, None], w)
    return w_new[i], i

def reference(x, W0, g0, b0, Wx, gx, bx, W2, g2, b2, Wd2, gd2, bd2, Wd1a, gd1a, bd1a, Wd1b, gd1b, bd1b, Wd0, bd0, dict_val, dict_cnt):
    h = _encoder(x, W0, g0, b0, Wx, gx, bx, W2, g2, b2)
    B, C2, Tq = h.shape
    Z = jnp.transpose(h, (0, 2, 1)).reshape(-1, VQ_DIM)
    W_j, i = _ewa(Z, dict_val, dict_cnt)
    W_j_sg = jax.lax.stop_gradient(W_j)
    hq = jnp.transpose(W_j_sg.reshape(B, Tq, C2), (0, 2, 1))
    recon = _decoder(hq, Wd2, gd2, bd2, Wd1a, gd1a, bd1a, Wd1b, gd1b, bd1b, Wd0, bd0)
    commit = ((Z - W_j_sg) ** 2).sum(1).mean()
    return recon, commit

if __name__ == "__main__":
    import jax
    _d = setup_inputs()
    print(jax.jit(kernel)(*tuple(_d.values())))

</pallas_src>

<mosaic_0001>
#map = affine_map<(d0, d1) -> (0)>
#map1 = affine_map<(d0, d1) -> (0, 0)>
#map2 = affine_map<(d0, d1) -> (0, 0, 0)>
module attributes {stable_mosaic.version = 14 : i64} {
  func.func @_sc_scatter_add(%arg0: i32, %arg1: i32, %arg2: memref<4096xi32, #tpu.memory_space<hbm>>, %arg3: memref<4096x128xf32, #tpu.memory_space<hbm>>, %arg4: memref<512x128xf32, #tpu.memory_space<hbm>>, %arg5: memref<2x512x128xf32, #tpu.memory_space<hbm>>, %arg6: memref<128xi32, #tpu.memory_space<vmem>>, %arg7: memref<128x128xf32, #tpu.memory_space<vmem>>, %arg8: memref<32x128xf32, #tpu.memory_space<vmem>>, %arg9: memref<512x128xf32, #tpu.memory_space<vmem_shared>>, %arg10: memref<!tpu.dma_semaphore, #tpu.memory_space<semaphore_mem>>) attributes {dimension_semantics = [#tpu.dimension_semantics<core_parallel>, #tpu.dimension_semantics<subcore_parallel>], iteration_bounds = array<i64: 2, 16>, scalar_prefetch = 0 : i64, scratch_operands = 5 : i64, tpu.core_type = #tpu.core_type<sc_vector_subcore>, window_params = [{transform_indices = #map}, {transform_indices = #map1}, {transform_indices = #map1}, {transform_indices = #map2}]} {
    %mul3A = arith.constant 2 : i32
    %mul3A_0 = arith.muli %arg1, %mul3A : i32
    %add3A = arith.addi %mul3A_0, %arg0 : i32
    %mul3A_1 = arith.constant 32 : i32
    %mul3A_2 = arith.muli %arg1, %mul3A_1 : i32
    %mul3A_3 = arith.constant 32 : i32
    %mul3A_4 = arith.muli %arg1, %mul3A_3 : i32
    "tpu.region"() ({
      %run_scoped3A = tpu.sem_alloc : memref<!tpu.dma_semaphore, #tpu.memory_space<semaphore_mem>>
      %dma_start3A = arith.constant 0 : i32
      %dma_start3A_12 = tpu.memref_slice %arg9[%mul3A_4, %dma_start3A] : memref<512x128xf32, #tpu.memory_space<vmem_shared>> -> memref<32x128xf32, #tpu.memory_space<vmem_shared>>
      %dma_start3A_13 = arith.constant 0 : i32
      %dma_start3A_14 = tpu.memref_slice %arg4[%mul3A_2, %dma_start3A_13] : memref<512x128xf32, #tpu.memory_space<hbm>> -> memref<32x128xf32, #tpu.memory_space<hbm>>
      tpu.enqueue_dma source(%dma_start3A_14 : memref<32x128xf32, #tpu.memory_space<hbm>>) target(%dma_start3A_12 : memref<32x128xf32, #tpu.memory_space<vmem_shared>>) target_semaphore(%run_scoped3A : memref<!tpu.dma_semaphore, #tpu.memory_space<semaphore_mem>>)
      %dma_wait3A = arith.constant 0 : i32
      %dma_wait3A_15 = tpu.memref_slice %arg9[%mul3A_4, %dma_wait3A] : memref<512x128xf32, #tpu.memory_space<vmem_shared>> -> memref<32x128xf32, #tpu.memory_space<vmem_shared>>
      %dma_wait3A_16 = arith.constant 0 : i32
      %dma_wait3A_17 = tpu.memref_slice %arg4[%mul3A_2, %dma_wait3A_16] : memref<512x128xf32, #tpu.memory_space<hbm>> -> memref<32x128xf32, #tpu.memory_space<hbm>>
      tpu.wait_dma2 semaphore(%run_scoped3A : memref<!tpu.dma_semaphore, #tpu.memory_space<semaphore_mem>>) src(%dma_wait3A_17 : memref<32x128xf32, #tpu.memory_space<hbm>>) dst(%dma_wait3A_15 : memref<32x128xf32, #tpu.memory_space<vmem_shared>>)
      tpu.yield
    }) : () -> ()
    %barrier3A = arith.constant 0 : index
    tpu.barrier barrier_id(%barrier3A)
    %mul3A_5 = arith.constant 128 : i32
    %mul3A_6 = arith.muli %add3A, %mul3A_5 : i32
    "tpu.region"() ({
      %run_scoped3A = tpu.sem_alloc : memref<!tpu.dma_semaphore, #tpu.memory_space<semaphore_mem>>
      %dma_start3A = tpu.memref_slice %arg2[%mul3A_6] : memref<4096xi32, #tpu.memory_space<hbm>> -> memref<128xi32, #tpu.memory_space<hbm>>
      %dma_start3A_12 = tpu.memref_slice %arg2[%mul3A_6] : memref<4096xi32, #tpu.memory_space<hbm>> -> memref<128xi32, #tpu.memory_space<hbm>>
      tpu.enqueue_dma source(%dma_start3A_12 : memref<128xi32, #tpu.memory_space<hbm>>) target(%arg6 : memref<128xi32, #tpu.memory_space<vmem>>) target_semaphore(%run_scoped3A : memref<!tpu.dma_semaphore, #tpu.memory_space<semaphore_mem>>)
      %dma_wait3A = tpu.memref_slice %arg2[%mul3A_6] : memref<4096xi32, #tpu.memory_space<hbm>> -> memref<128xi32, #tpu.memory_space<hbm>>
      %dma_wait3A_13 = tpu.memref_slice %arg2[%mul3A_6] : memref<4096xi32, #tpu.memory_space<hbm>> -> memref<128xi32, #tpu.memory_space<hbm>>
      tpu.wait_dma2 semaphore(%run_scoped3A : memref<!tpu.dma_semaphore, #tpu.memory_space<semaphore_mem>>) src(%dma_wait3A_13 : memref<128xi32, #tpu.memory_space<hbm>>) dst(%arg6 : memref<128xi32, #tpu.memory_space<vmem>>)
      tpu.yield
    }) : () -> ()
    "tpu.region"() ({
      %run_scoped3A = tpu.sem_alloc : memref<!tpu.dma_semaphore, #tpu.memory_space<semaphore_mem>>
      %dma_start3A = arith.constant 0 : i32
      %dma_start3A_12 = tpu.memref_slice %arg3[%mul3A_6, %dma_start3A] : memref<4096x128xf32, #tpu.memory_space<hbm>> -> memref<128x128xf32, #tpu.memory_space<hbm>>
      %dma_start3A_13 = arith.constant 0 : i32
      %dma_start3A_14 = tpu.memref_slice %arg3[%mul3A_6, %dma_start3A_13] : memref<4096x128xf32, #tpu.memory_space<hbm>> -> memref<128x128xf32, #tpu.memory_space<hbm>>
      tpu.enqueue_dma source(%dma_start3A_14 : memref<128x128xf32, #tpu.memory_space<hbm>>) target(%arg7 : memref<128x128xf32, #tpu.memory_space<vmem>>) target_semaphore(%run_scoped3A : memref<!tpu.dma_semaphore, #tpu.memory_space<semaphore_mem>>)
      %dma_wait3A = arith.constant 0 : i32
      %dma_wait3A_15 = tpu.memref_slice %arg3[%mul3A_6, %dma_wait3A] : memref<4096x128xf32, #tpu.memory_space<hbm>> -> memref<128x128xf32, #tpu.memory_space<hbm>>
      %dma_wait3A_16 = arith.constant 0 : i32
      %dma_wait3A_17 = tpu.memref_slice %arg3[%mul3A_6, %dma_wait3A_16] : memref<4096x128xf32, #tpu.memory_space<hbm>> -> memref<128x128xf32, #tpu.memory_space<hbm>>
      tpu.wait_dma2 semaphore(%run_scoped3A : memref<!tpu.dma_semaphore, #tpu.memory_space<semaphore_mem>>) src(%dma_wait3A_17 : memref<128x128xf32, #tpu.memory_space<hbm>>) dst(%arg7 : memref<128x128xf32, #tpu.memory_space<vmem>>)
      tpu.yield
    }) : () -> ()
    "tpu.region"() ({
      %run_scoped3A = tpu.sem_alloc : memref<!tpu.dma_semaphore, #tpu.memory_space<semaphore_mem>>
      %dma_start3A = arith.constant 0 : i32
      %dma_start3A_12 = arith.constant 0 : i32
      %dma_start3A_13 = tpu.memref_slice %arg9[%dma_start3A, %dma_start3A_12] : memref<512x128xf32, #tpu.memory_space<vmem_shared>> -> memref<512x128xf32, #tpu.memory_space<vmem_shared>>
      tpu.enqueue_indirect_dma source(%arg7 : memref<128x128xf32, #tpu.memory_space<vmem>>) target(%dma_start3A_13 : memref<512x128xf32, #tpu.memory_space<vmem_shared>>) offsets(%arg6 : memref<128xi32, #tpu.memory_space<vmem>>) semaphore(%run_scoped3A : memref<!tpu.dma_semaphore, #tpu.memory_space<semaphore_mem>>) {add = true}
      %dma_wait3A = arith.constant 0 : i32
      %dma_wait3A_14 = arith.constant 0 : i32
      %dma_wait3A_15 = tpu.memref_slice %arg9[%dma_wait3A, %dma_wait3A_14] : memref<512x128xf32, #tpu.memory_space<vmem_shared>> -> memref<512x128xf32, #tpu.memory_space<vmem_shared>>
      tpu.wait_indirect_dma semaphore(%run_scoped3A : memref<!tpu.dma_semaphore, #tpu.memory_space<semaphore_mem>>) src(%arg7 : memref<128x128xf32, #tpu.memory_space<vmem>>) dst(%dma_wait3A_15 : memref<512x128xf32, #tpu.memory_space<vmem_shared>>)
      tpu.yield
    }) : () -> ()
    %barrier3A_7 = arith.constant 0 : index
    tpu.barrier barrier_id(%barrier3A_7)
    %mul3A_8 = arith.constant 32 : i32
    %mul3A_9 = arith.muli %arg1, %mul3A_8 : i32
    "tpu.region"() ({
      %run_scoped3A = tpu.sem_alloc : memref<!tpu.dma_semaphore, #tpu.memory_space<semaphore_mem>>
      %dma_start3A = arith.constant 0 : i32
      %dma_start3A_12 = tpu.memref_slice %arg9[%mul3A_9, %dma_start3A] : memref<512x128xf32, #tpu.memory_space<vmem_shared>> -> memref<32x128xf32, #tpu.memory_space<vmem_shared>>
      %dma_start3A_13 = arith.constant 0 : i32
      %dma_start3A_14 = tpu.memref_slice %arg9[%mul3A_9, %dma_start3A_13] : memref<512x128xf32, #tpu.memory_space<vmem_shared>> -> memref<32x128xf32, #tpu.memory_space<vmem_shared>>
      tpu.enqueue_dma source(%dma_start3A_14 : memref<32x128xf32, #tpu.memory_space<vmem_shared>>) target(%arg8 : memref<32x128xf32, #tpu.memory_space<vmem>>) target_semaphore(%run_scoped3A : memref<!tpu.dma_semaphore, #tpu.memory_space<semaphore_mem>>)
      %dma_wait3A = arith.constant 0 : i32
      %dma_wait3A_15 = tpu.memref_slice %arg9[%mul3A_9, %dma_wait3A] : memref<512x128xf32, #tpu.memory_space<vmem_shared>> -> memref<32x128xf32, #tpu.memory_space<vmem_shared>>
      %dma_wait3A_16 = arith.constant 0 : i32
      %dma_wait3A_17 = tpu.memref_slice %arg9[%mul3A_9, %dma_wait3A_16] : memref<512x128xf32, #tpu.memory_space<vmem_shared>> -> memref<32x128xf32, #tpu.memory_space<vmem_shared>>
      tpu.wait_dma2 semaphore(%run_scoped3A : memref<!tpu.dma_semaphore, #tpu.memory_space<semaphore_mem>>) src(%dma_wait3A_17 : memref<32x128xf32, #tpu.memory_space<vmem_shared>>) dst(%arg8 : memref<32x128xf32, #tpu.memory_space<vmem>>)
      tpu.yield
    }) : () -> ()
    %mul3A_10 = arith.constant 32 : i32
    %mul3A_11 = arith.muli %arg1, %mul3A_10 : i32
    "tpu.region"() ({
      %run_scoped3A = tpu.sem_alloc : memref<!tpu.dma_semaphore, #tpu.memory_space<semaphore_mem>>
      %dma_start3A = arith.constant 0 : i32
      %dma_start3A_12 = arith.constant 0 : i32
      %dma_start3A_13 = tpu.memref_slice %arg5[%arg0, %dma_start3A, %dma_start3A_12] : memref<2x512x128xf32, #tpu.memory_space<hbm>> -> memref<1x512x128xf32, #tpu.memory_space<hbm>>
      %dma_start3A_14 = tpu.memref_squeeze %dma_start3A_13 : memref<1x512x128xf32, #tpu.memory_space<hbm>> -> memref<512x128xf32, #tpu.memory_space<hbm>>
      %dma_start3A_15 = arith.constant 0 : i32
      %dma_start3A_16 = tpu.memref_slice %dma_start3A_14[%mul3A_11, %dma_start3A_15] : memref<512x128xf32, #tpu.memory_space<hbm>> -> memref<32x128xf32, #tpu.memory_space<hbm>>
      %dma_start3A_17 = arith.constant 0 : i32
      %dma_start3A_18 = arith.constant 0 : i32
      %dma_start3A_19 = tpu.memref_slice %arg5[%arg0, %dma_start3A_17, %dma_start3A_18] : memref<2x512x128xf32, #tpu.memory_space<hbm>> -> memref<1x512x128xf32, #tpu.memory_space<hbm>>
      %dma_start3A_20 = tpu.memref_squeeze %dma_start3A_19 : memref<1x512x128xf32, #tpu.memory_space<hbm>> -> memref<512x128xf32, #tpu.memory_space<hbm>>
      %dma_start3A_21 = arith.constant 0 : i32
      %dma_start3A_22 = tpu.memref_slice %dma_start3A_20[%mul3A_11, %dma_start3A_21] : memref<512x128xf32, #tpu.memory_space<hbm>> -> memref<32x128xf32, #tpu.memory_space<hbm>>
      tpu.enqueue_dma source(%arg8 : memref<32x128xf32, #tpu.memory_space<vmem>>) target(%dma_start3A_22 : memref<32x128xf32, #tpu.memory_space<hbm>>) target_semaphore(%run_scoped3A : memref<!tpu.dma_semaphore, #tpu.memory_space<semaphore_mem>>)
      %dma_wait3A = arith.constant 0 : i32
      %dma_wait3A_23 = arith.constant 0 : i32
      %dma_wait3A_24 = tpu.memref_slice %arg5[%arg0, %dma_wait3A, %dma_wait3A_23] : memref<2x512x128xf32, #tpu.memory_space<hbm>> -> memref<1x512x128xf32, #tpu.memory_space<hbm>>
      %dma_wait3A_25 = tpu.memref_squeeze %dma_wait3A_24 : memref<1x512x128xf32, #tpu.memory_space<hbm>> -> memref<512x128xf32, #tpu.memory_space<hbm>>
      %dma_wait3A_26 = arith.constant 0 : i32
      %dma_wait3A_27 = tpu.memref_slice %dma_wait3A_25[%mul3A_11, %dma_wait3A_26] : memref<512x128xf32, #tpu.memory_space<hbm>> -> memref<32x128xf32, #tpu.memory_space<hbm>>
      %dma_wait3A_28 = arith.constant 0 : i32
      %dma_wait3A_29 = arith.constant 0 : i32
      %dma_wait3A_30 = tpu.memref_slice %arg5[%arg0, %dma_wait3A_28, %dma_wait3A_29] : memref<2x512x128xf32, #tpu.memory_space<hbm>> -> memref<1x512x128xf32, #tpu.memory_space<hbm>>
      %dma_wait3A_31 = tpu.memref_squeeze %dma_wait3A_30 : memref<1x512x128xf32, #tpu.memory_space<hbm>> -> memref<512x128xf32, #tpu.memory_space<hbm>>
      %dma_wait3A_32 = arith.constant 0 : i32
      %dma_wait3A_33 = tpu.memref_slice %dma_wait3A_31[%mul3A_11, %dma_wait3A_32] : memref<512x128xf32, #tpu.memory_space<hbm>> -> memref<32x128xf32, #tpu.memory_space<hbm>>
      tpu.wait_dma2 semaphore(%run_scoped3A : memref<!tpu.dma_semaphore, #tpu.memory_space<semaphore_mem>>) src(%arg8 : memref<32x128xf32, #tpu.memory_space<vmem>>) dst(%dma_wait3A_33 : memref<32x128xf32, #tpu.memory_space<hbm>>)
      tpu.yield
    }) : () -> ()
    return
  }
}

#map = affine_map<(d0, d1) -> (0, 0)>
#map1 = affine_map<(d0, d1) -> (0)>
module attributes {stable_mosaic.version = 14 : i64} {
  func.func @_sc_gather(%arg0: i32, %arg1: i32, %arg2: memref<512x128xf32, #tpu.memory_space<hbm>>, %arg3: memref<4096xi32, #tpu.memory_space<hbm>>, %arg4: memref<4096x128xf32, #tpu.memory_space<hbm>>, %arg5: memref<128xi32, #tpu.memory_space<vmem>>, %arg6: memref<128x128xf32, #tpu.memory_space<vmem>>, %arg7: memref<!tpu.dma_semaphore, #tpu.memory_space<semaphore_mem>>) attributes {dimension_semantics = [#tpu.dimension_semantics<core_parallel>, #tpu.dimension_semantics<subcore_parallel>], iteration_bounds = array<i64: 2, 16>, scalar_prefetch = 0 : i64, scratch_operands = 3 : i64, tpu.core_type = #tpu.core_type<sc_vector_subcore>, window_params = [{transform_indices = #map}, {transform_indices = #map1}, {transform_indices = #map}]} {
    %mul3A = arith.constant 2 : i32
    %mul3A_0 = arith.muli %arg1, %mul3A : i32
    %add3A = arith.addi %mul3A_0, %arg0 : i32
    %mul3A_1 = arith.constant 128 : i32
    %mul3A_2 = arith.muli %add3A, %mul3A_1 : i32
    "tpu.region"() ({
      %run_scoped3A = tpu.sem_alloc : memref<!tpu.dma_semaphore, #tpu.memory_space<semaphore_mem>>
      %dma_start3A_7 = tpu.memref_slice %arg3[%mul3A_2] : memref<4096xi32, #tpu.memory_space<hbm>> -> memref<128xi32, #tpu.memory_space<hbm>>
      %dma_start3A_8 = tpu.memref_slice %arg3[%mul3A_2] : memref<4096xi32, #tpu.memory_space<hbm>> -> memref<128xi32, #tpu.memory_space<hbm>>
      tpu.enqueue_dma source(%dma_start3A_8 : memref<128xi32, #tpu.memory_space<hbm>>) target(%arg5 : memref<128xi32, #tpu.memory_space<vmem>>) target_semaphore(%run_scoped3A : memref<!tpu.dma_semaphore, #tpu.memory_space<semaphore_mem>>)
      %dma_wait3A_9 = tpu.memref_slice %arg3[%mul3A_2] : memref<4096xi32, #tpu.memory_space<hbm>> -> memref<128xi32, #tpu.memory_space<hbm>>
      %dma_wait3A_10 = tpu.memref_slice %arg3[%mul3A_2] : memref<4096xi32, #tpu.memory_space<hbm>> -> memref<128xi32, #tpu.memory_space<hbm>>
      tpu.wait_dma2 semaphore(%run_scoped3A : memref<!tpu.dma_semaphore, #tpu.memory_space<semaphore_mem>>) src(%dma_wait3A_10 : memref<128xi32, #tpu.memory_space<hbm>>) dst(%arg5 : memref<128xi32, #tpu.memory_space<vmem>>)
      tpu.yield
    }) : () -> ()
    %dma_start3A = arith.constant 0 : i32
    %dma_start3A_3 = arith.constant 0 : i32
    %dma_start3A_4 = tpu.memref_slice %arg2[%dma_start3A, %dma_start3A_3] : memref<512x128xf32, #tpu.memory_space<hbm>> -> memref<512x128xf32, #tpu.memory_space<hbm>>
    tpu.enqueue_indirect_dma source(%dma_start3A_4 : memref<512x128xf32, #tpu.memory_space<hbm>>) target(%arg6 : memref<128x128xf32, #tpu.memory_space<vmem>>) offsets(%arg5 : memref<128xi32, #tpu.memory_space<vmem>>) semaphore(%arg7 : memref<!tpu.dma_semaphore, #tpu.memory_space<semaphore_mem>>)
    %dma_wait3A = arith.constant 0 : i32
    %dma_wait3A_5 = arith.constant 0 : i32
    %dma_wait3A_6 = tpu.memref_slice %arg2[%dma_wait3A, %dma_wait3A_5] : memref<512x128xf32, #tpu.memory_space<hbm>> -> memref<512x128xf32, #tpu.memory_space<hbm>>
    tpu.wait_indirect_dma semaphore(%arg7 : memref<!tpu.dma_semaphore, #tpu.memory_space<semaphore_mem>>) src(%dma_wait3A_6 : memref<512x128xf32, #tpu.memory_space<hbm>>) dst(%arg6 : memref<128x128xf32, #tpu.memory_space<vmem>>)
    "tpu.region"() ({
      %run_scoped3A = tpu.sem_alloc : memref<!tpu.dma_semaphore, #tpu.memory_space<semaphore_mem>>
      %dma_start3A_7 = arith.constant 0 : i32
      %dma_start3A_8 = tpu.memref_slice %arg4[%mul3A_2, %dma_start3A_7] : memref<4096x128xf32, #tpu.memory_space<hbm>> -> memref<128x128xf32, #tpu.memory_space<hbm>>
      %dma_start3A_9 = arith.constant 0 : i32
      %dma_start3A_10 = tpu.memref_slice %arg4[%mul3A_2, %dma_start3A_9] : memref<4096x128xf32, #tpu.memory_space<hbm>> -> memref<128x128xf32, #tpu.memory_space<hbm>>
      tpu.enqueue_dma source(%arg6 : memref<128x128xf32, #tpu.memory_space<vmem>>) target(%dma_start3A_10 : memref<128x128xf32, #tpu.memory_space<hbm>>) target_semaphore(%run_scoped3A : memref<!tpu.dma_semaphore, #tpu.memory_space<semaphore_mem>>)
      %dma_wait3A_11 = arith.constant 0 : i32
      %dma_wait3A_12 = tpu.memref_slice %arg4[%mul3A_2, %dma_wait3A_11] : memref<4096x128xf32, #tpu.memory_space<hbm>> -> memref<128x128xf32, #tpu.memory_space<hbm>>
      %dma_wait3A_13 = arith.constant 0 : i32
      %dma_wait3A_14 = tpu.memref_slice %arg4[%mul3A_2, %dma_wait3A_13] : memref<4096x128xf32, #tpu.memory_space<hbm>> -> memref<128x128xf32, #tpu.memory_space<hbm>>
      tpu.wait_dma2 semaphore(%run_scoped3A : memref<!tpu.dma_semaphore, #tpu.memory_space<semaphore_mem>>) src(%arg6 : memref<128x128xf32, #tpu.memory_space<vmem>>) dst(%dma_wait3A_14 : memref<128x128xf32, #tpu.memory_space<hbm>>)
      tpu.yield
    }) : () -> ()
    return
  }
}

module attributes {stable_mosaic.version = 14 : i64} {
  func.func @_argmin_body(%arg0: memref<16x256x64xf32, #tpu.memory_space<vmem>>, %arg1: memref<64xf32, #tpu.memory_space<vmem>>, %arg2: memref<64xf32, #tpu.memory_space<vmem>>, %arg3: memref<512x64xf32, #tpu.memory_space<vmem>>, %arg4: memref<4096x128xf32, #tpu.memory_space<vmem>>, %arg5: memref<4096x1xi32, #tpu.memory_space<vmem>>) attributes {dimension_semantics = [], scalar_prefetch = 0 : i64, scratch_operands = 0 : i64, tpu.core_type = #tpu.core_type<tc>} {
    %get3A = arith.constant 0 : index
    %get3A_0 = arith.constant 0 : index
    %get3A_1 = arith.constant 0 : index
    %get3A_2 = vector.load %arg0[%get3A, %get3A_0, %get3A_1] : memref<16x256x64xf32, #tpu.memory_space<vmem>>, vector<16x256x64xf32>
    %transpose3A = tpu.transpose %get3A_2, [0, 2, 1] : vector<16x256x64xf32> -> vector<16x64x256xf32>
    %reduce_sum3A = arith.constant dense<0.000000e+00> : vector<64xf32>
    %reduce_sum3A_3 = vector.multi_reduction <add>, %transpose3A, %reduce_sum3A [0, 2] : vector<16x64x256xf32> to vector<64xf32>
    %broadcast_in_dim3A = vector.shape_cast %reduce_sum3A_3 : vector<64xf32> to vector<1x64x1xf32>
    %div3A = arith.constant 4.096000e+03 : f32
    %div3A_4 = vector.broadcast %div3A : f32 to vector<1x64x1xf32>
    %div3A_5 = arith.divf %broadcast_in_dim3A, %div3A_4 : vector<1x64x1xf32>
    %sub3A = vector.broadcast %div3A_5 : vector<1x64x1xf32> to vector<16x64x256xf32>
    %sub3A_6 = arith.subf %transpose3A, %sub3A : vector<16x64x256xf32>
    %integer_pow3A = arith.mulf %sub3A_6, %sub3A_6 : vector<16x64x256xf32>
    %reduce_sum3A_7 = arith.constant dense<0.000000e+00> : vector<64xf32>
    %reduce_sum3A_8 = vector.multi_reduction <add>, %integer_pow3A, %reduce_sum3A_7 [0, 2] : vector<16x64x256xf32> to vector<64xf32>
    %broadcast_in_dim3A_9 = vector.shape_cast %reduce_sum3A_8 : vector<64xf32> to vector<1x64x1xf32>
    %div3A_10 = arith.constant 4.096000e+03 : f32
    %div3A_11 = vector.broadcast %div3A_10 : f32 to vector<1x64x1xf32>
    %div3A_12 = arith.divf %broadcast_in_dim3A_9, %div3A_11 : vector<1x64x1xf32>
    %reshape3A = vector.shape_cast %div3A_5 : vector<1x64x1xf32> to vector<64x1xf32>
    %transpose3A_13 = tpu.transpose %reshape3A, [1, 0] : vector<64x1xf32> -> vector<1x64xf32>
    %reshape3A_14 = vector.shape_cast %div3A_12 : vector<1x64x1xf32> to vector<64x1xf32>
    %transpose3A_15 = tpu.transpose %reshape3A_14, [1, 0] : vector<64x1xf32> -> vector<1x64xf32>
    %reshape3A_16 = vector.shape_cast %get3A_2 : vector<16x256x64xf32> to vector<4096x64xf32>
    %sub3A_17 = vector.broadcast %transpose3A_13 : vector<1x64xf32> to vector<4096x64xf32>
    %sub3A_18 = arith.subf %reshape3A_16, %sub3A_17 : vector<4096x64xf32>
    %add3A = arith.constant 9.99999974E-6 : f32
    %add3A_19 = vector.broadcast %add3A : f32 to vector<1x64xf32>
    %add3A_20 = arith.addf %transpose3A_15, %add3A_19 : vector<1x64xf32>
    %sqrt3A = math.sqrt %add3A_20 : vector<1x64xf32>
    %div3A_21 = vector.broadcast %sqrt3A : vector<1x64xf32> to vector<4096x64xf32>
    %div3A_22 = arith.divf %sub3A_18, %div3A_21 : vector<4096x64xf32>
    %get3A_23 = arith.constant 0 : index
    %get3A_24 = vector.load %arg1[%get3A_23] : memref<64xf32, #tpu.memory_space<vmem>>, vector<64xf32>
    %broadcast_in_dim3A_25 = vector.shape_cast %get3A_24 : vector<64xf32> to vector<1x64xf32>
    %mul3A = vector.broadcast %broadcast_in_dim3A_25 : vector<1x64xf32> to vector<4096x64xf32>
    %mul3A_26 = arith.mulf %div3A_22, %mul3A : vector<4096x64xf32>
    %get3A_27 = arith.constant 0 : index
    %get3A_28 = vector.load %arg2[%get3A_27] : memref<64xf32, #tpu.memory_space<vmem>>, vector<64xf32>
    %broadcast_in_dim3A_29 = vector.shape_cast %get3A_28 : vector<64xf32> to vector<1x64xf32>
    %add3A_30 = vector.broadcast %broadcast_in_dim3A_29 : vector<1x64xf32> to vector<4096x64xf32>
    %add3A_31 = arith.addf %mul3A_26, %add3A_30 : vector<4096x64xf32>
    %get3A_32 = arith.constant 0 : index
    %get3A_33 = arith.constant 0 : index
    %get3A_34 = vector.load %arg3[%get3A_32, %get3A_33] : memref<512x64xf32, #tpu.memory_space<vmem>>, vector<512x64xf32>
    %mul3A_35 = arith.mulf %add3A_31, %add3A_31 : vector<4096x64xf32>
    %reduce_sum3A_36 = arith.constant dense<0.000000e+00> : vector<4096xf32>
    %reduce_sum3A_37 = vector.multi_reduction <add>, %mul3A_35, %reduce_sum3A_36 [1] : vector<4096x64xf32> to vector<4096xf32>
    %broadcast_in_dim3A_38 = vector.shape_cast %reduce_sum3A_37 : vector<4096xf32> to vector<4096x1xf32>
    %convert_element_type3A = arith.truncf %add3A_31 : vector<4096x64xf32> to vector<4096x64xbf16>
    %convert_element_type3A_39 = arith.truncf %get3A_34 : vector<512x64xf32> to vector<512x64xbf16>
    %dot_general3A = arith.constant dense<0.000000e+00> : vector<4096x512xf32>
    %dot_general3A_40 = tpu.matmul %convert_element_type3A, %convert_element_type3A_39, %dot_general3A {dimension_numbers = #tpu.dot_dimension_numbers<[1], [1], [0], [0], [0, 0, 1, 0], [], []>, transpose_lhs_hint = false} : vector<4096x64xbf16>, vector<512x64xbf16>, vector<4096x512xf32> -> vector<4096x512xf32>
    %broadcast_in_dim3A_41 = arith.constant 1.000000e+00 : f32
    %broadcast_in_dim3A_42 = vector.broadcast %broadcast_in_dim3A_41 : f32 to vector<1x64xf32>
    %mul3A_43 = arith.mulf %get3A_34, %get3A_34 : vector<512x64xf32>
    %dot_general3A_44 = arith.constant dense<0.000000e+00> : vector<1x512xf32>
    %dot_general3A_45 = tpu.matmul %broadcast_in_dim3A_42, %mul3A_43, %dot_general3A_44 {dimension_numbers = #tpu.dot_dimension_numbers<[1], [1], [0], [0], [0, 0, 1, 0], [], []>, precision = #tpu.contract_precision<fp32>, transpose_lhs_hint = false} : vector<1x64xf32>, vector<512x64xf32>, vector<1x512xf32> -> vector<1x512xf32>
    %mul3A_46 = arith.constant 2.000000e+00 : f32
    %mul3A_47 = vector.broadcast %mul3A_46 : f32 to vector<4096x512xf32>
    %mul3A_48 = arith.mulf %mul3A_47, %dot_general3A_40 : vector<4096x512xf32>
    %sub3A_49 = vector.broadcast %broadcast_in_dim3A_38 : vector<4096x1xf32> to vector<4096x512xf32>
    %sub3A_50 = arith.subf %sub3A_49, %mul3A_48 : vector<4096x512xf32>
    %add3A_51 = vector.broadcast %dot_general3A_45 : vector<1x512xf32> to vector<4096x512xf32>
    %add3A_52 = arith.addf %sub3A_50, %add3A_51 : vector<4096x512xf32>
    %reduce_min3A = arith.constant dense<0x7F800000> : vector<4096xf32>
    %reduce_min3A_53 = vector.multi_reduction <minimumf>, %add3A_52, %reduce_min3A [1] : vector<4096x512xf32> to vector<4096xf32>
    %broadcast_in_dim3A_54 = vector.shape_cast %reduce_min3A_53 : vector<4096xf32> to vector<4096x1xf32>
    %iota3A = tpu.iota {dimensions = array<i32: 1>} : vector<4096x512xi32>
    %eq3A = vector.broadcast %broadcast_in_dim3A_54 : vector<4096x1xf32> to vector<4096x512xf32>
    %eq3A_55 = arith.cmpf oeq, %add3A_52, %eq3A : vector<4096x512xf32>
    %jit3A = arith.constant 1073741824 : i32
    %broadcast_in_dim3A_56 = vector.broadcast %jit3A : i32 to vector<4096x512xi32>
    %select_n3A = arith.select %eq3A_55, %iota3A, %broadcast_in_dim3A_56 : vector<4096x512xi1>, vector<4096x512xi32>
    %reduce_min3A_57 = arith.constant dense<2147483647> : vector<4096xi32>
    %reduce_min3A_58 = vector.multi_reduction <minsi>, %select_n3A, %reduce_min3A_57 [1] : vector<4096x512xi32> to vector<4096xi32>
    %broadcast_in_dim3A_59 = vector.shape_cast %reduce_min3A_58 : vector<4096xi32> to vector<4096x1xi32>
    %swap3A = arith.constant 0 : index
    %swap3A_60 = arith.constant 0 : index
    %swap3A_61 = vector.load %arg5[%swap3A, %swap3A_60] : memref<4096x1xi32, #tpu.memory_space<vmem>>, vector<4096x1xi32>
    tpu.vector_store %arg5[%swap3A, %swap3A_60], %broadcast_in_dim3A_59 {strides = array<i32>} : memref<4096x1xi32, #tpu.memory_space<vmem>>, vector<4096x1xi32>,
    %iota3A_62 = tpu.iota {dimensions = array<i32: 1>} : vector<4096x128xi32>
    %jit3A_63 = arith.constant 0 : i32
    %convert_element_type3A_64 = arith.sitofp %jit3A_63 : i32 to f32
    %pad3A = vector.broadcast %convert_element_type3A_64 : f32 to vector<4096x64xf32>
    %pad3A_65 = tpu.concatenate %add3A_31, %pad3A in 1 : vector<4096x64xf32>, vector<4096x64xf32> -> vector<4096x128xf32>
    %eq3A_66 = arith.constant 64 : i32
    %eq3A_67 = vector.broadcast %eq3A_66 : i32 to vector<4096x128xi32>
    %eq3A_68 = arith.cmpi eq, %iota3A_62, %eq3A_67 : vector<4096x128xi32>
    %convert_element_type3A_69 = arith.extui %eq3A_68 : vector<4096x128xi1> to vector<4096x128xi32>
    %convert_element_type3A_70 = arith.sitofp %convert_element_type3A_69 : vector<4096x128xi32> to vector<4096x128xf32>
    %add3A_71 = arith.addf %pad3A_65, %convert_element_type3A_70 : vector<4096x128xf32>
    %swap3A_72 = arith.constant 0 : index
    %swap3A_73 = arith.constant 0 : index
    %swap3A_74 = vector.load %arg4[%swap3A_72, %swap3A_73] : memref<4096x128xf32, #tpu.memory_space<vmem>>, vector<4096x128xf32>
    tpu.vector_store %arg4[%swap3A_72, %swap3A_73], %add3A_71 {strides = array<i32>} : memref<4096x128xf32, #tpu.memory_space<vmem>>, vector<4096x128xf32>,
    return
  }
}

module attributes {stable_mosaic.version = 14 : i64} {
  func.func @_encoder_body(%arg0: i32, %arg1: memref<2x80x1024xf32, #tpu.memory_space<vmem>>, %arg2: memref<5x80x256xf32, #tpu.memory_space<vmem>>, %arg3: memref<256xf32, #tpu.memory_space<vmem>>, %arg4: memref<256xf32, #tpu.memory_space<vmem>>, %arg5: memref<3x256x256xf32, #tpu.memory_space<vmem>>, %arg6: memref<256xf32, #tpu.memory_space<vmem>>, %arg7: memref<256xf32, #tpu.memory_space<vmem>>, %arg8: memref<3x256x64xf32, #tpu.memory_space<vmem>>, %arg9: memref<256x16xf32, #tpu.memory_space<vmem>>, %arg10: memref<2x256x64xf32, #tpu.memory_space<vmem>>) attributes {dimension_semantics = [#tpu.dimension_semantics<arbitrary>], iteration_bounds = array<i64: 8>, scalar_prefetch = 0 : i64, scratch_operands = 0 : i64, tpu.core_type = #tpu.core_type<tc>, window_params = [{transform_indices = @transform_0, window_bounds = array<i64: 2, 80, 1024>}, {pipeline_mode = #tpu.pipeline_mode<synchronous>, transform_indices = @transform_1, window_bounds = array<i64: 5, 80, 256>}, {pipeline_mode = #tpu.pipeline_mode<synchronous>, transform_indices = @transform_2, window_bounds = array<i64: 256>}, {pipeline_mode = #tpu.pipeline_mode<synchronous>, transform_indices = @transform_3, window_bounds = array<i64: 256>}, {pipeline_mode = #tpu.pipeline_mode<synchronous>, transform_indices = @transform_4, window_bounds = array<i64: 3, 256, 256>}, {pipeline_mode = #tpu.pipeline_mode<synchronous>, transform_indices = @transform_5, window_bounds = array<i64: 256>}, {pipeline_mode = #tpu.pipeline_mode<synchronous>, transform_indices = @transform_6, window_bounds = array<i64: 256>}, {pipeline_mode = #tpu.pipeline_mode<synchronous>, transform_indices = @transform_7, window_bounds = array<i64: 3, 256, 64>}, {pipeline_mode = #tpu.pipeline_mode<synchronous>, transform_indices = @transform_8, window_bounds = array<i64: 256, 16>}, {transform_indices = @transform_9, window_bounds = array<i64: 2, 256, 64>}]} {
    %get3A = arith.constant 0 : index
    %get3A_0 = arith.constant 0 : index
    %get3A_1 = vector.load %arg9[%get3A, %get3A_0] : memref<256x16xf32, #tpu.memory_space<vmem>>, vector<256x16xf32>
    %get3A_2 = arith.constant 0 : index
    %get3A_3 = vector.load %arg3[%get3A_2] : memref<256xf32, #tpu.memory_space<vmem>>, vector<256xf32>
    %get3A_4 = arith.constant 0 : index
    %get3A_5 = vector.load %arg4[%get3A_4] : memref<256xf32, #tpu.memory_space<vmem>>, vector<256xf32>
    %get3A_6 = arith.constant 0 : index
    %get3A_7 = vector.load %arg6[%get3A_6] : memref<256xf32, #tpu.memory_space<vmem>>, vector<256xf32>
    %get3A_8 = arith.constant 0 : index
    %get3A_9 = vector.load %arg7[%get3A_8] : memref<256xf32, #tpu.memory_space<vmem>>, vector<256xf32>
    %get3A_10 = arith.constant 0 : index
    %get3A_11 = arith.constant 0 : index
    %get3A_12 = arith.constant 0 : index
    %get3A_13 = vector.load %arg1[%get3A_10, %get3A_11, %get3A_12] : memref<2x80x1024xf32, #tpu.memory_space<vmem>>, vector<1x80x1024xf32>
    %get3A_14 = vector.shape_cast %get3A_13 : vector<1x80x1024xf32> to vector<80x1024xf32>
    %transpose3A = tpu.transpose %get3A_14, [1, 0] : vector<80x1024xf32> -> vector<1024x80xf32>
    %convert_element_type3A = arith.truncf %transpose3A : vector<1024x80xf32> to vector<1024x80xbf16>
    %jit3A = arith.constant 0 : i32
    %convert_element_type3A_15 = arith.sitofp %jit3A : i32 to bf16
    %pad3A = vector.broadcast %convert_element_type3A_15 : bf16 to vector<2x80xbf16>
    %pad3A_16 = tpu.concatenate %pad3A, %convert_element_type3A in 0 : vector<2x80xbf16>, vector<1024x80xbf16> -> vector<1026x80xbf16>
    %pad3A_17 = vector.broadcast %convert_element_type3A_15 : bf16 to vector<2x80xbf16>
    %pad3A_18 = tpu.concatenate %pad3A_16, %pad3A_17 in 0 : vector<1026x80xbf16>, vector<2x80xbf16> -> vector<1028x80xbf16>
    %slice3A = vector.extract_strided_slice %pad3A_18 {offsets = [0, 0], sizes = [1024, 80], strides = [1, 1]} : vector<1028x80xbf16> to vector<1024x80xbf16>
    %slice3A_19 = vector.extract_strided_slice %pad3A_18 {offsets = [1, 0], sizes = [1024, 80], strides = [1, 1]} : vector<1028x80xbf16> to vector<1024x80xbf16>
    %slice3A_20 = vector.extract_strided_slice %pad3A_18 {offsets = [2, 0], sizes = [1024, 80], strides = [1, 1]} : vector<1028x80xbf16> to vector<1024x80xbf16>
    %slice3A_21 = vector.extract_strided_slice %pad3A_18 {offsets = [3, 0], sizes = [1024, 80], strides = [1, 1]} : vector<1028x80xbf16> to vector<1024x80xbf16>
    %slice3A_22 = vector.extract_strided_slice %pad3A_18 {offsets = [4, 0], sizes = [1024, 80], strides = [1, 1]} : vector<1028x80xbf16> to vector<1024x80xbf16>
    %concatenate3A = tpu.concatenate %slice3A, %slice3A_19, %slice3A_20, %slice3A_21, %slice3A_22 in 1 : vector<1024x80xbf16>, vector<1024x80xbf16>, vector<1024x80xbf16>, vector<1024x80xbf16>, vector<1024x80xbf16> -> vector<1024x400xbf16>
    %get3A_23 = arith.constant 0 : index
    %get3A_24 = arith.constant 0 : index
    %get3A_25 = arith.constant 0 : index
    %get3A_26 = vector.load %arg2[%get3A_23, %get3A_24, %get3A_25] : memref<5x80x256xf32, #tpu.memory_space<vmem>>, vector<5x80x256xf32>
    %reshape3A = vector.shape_cast %get3A_26 : vector<5x80x256xf32> to vector<400x256xf32>
    %convert_element_type3A_27 = arith.truncf %reshape3A : vector<400x256xf32> to vector<400x256xbf16>
    %dot_general3A = arith.constant dense<0.000000e+00> : vector<1024x256xf32>
    %dot_general3A_28 = tpu.matmul %concatenate3A, %convert_element_type3A_27, %dot_general3A {dimension_numbers = #tpu.dot_dimension_numbers<[1], [0], [0], [1], [0, 0, 1, 1], [], []>, transpose_lhs_hint = false} : vector<1024x400xbf16>, vector<400x256xbf16>, vector<1024x256xf32> -> vector<1024x256xf32>
    %transpose3A_29 = tpu.transpose %dot_general3A_28, [1, 0] : vector<1024x256xf32> -> vector<256x1024xf32>
    %reshape3A_30 = vector.shape_cast %transpose3A_29 : vector<256x1024xf32> to vector<16x16x1024xf32>
    %reduce_sum3A = arith.constant dense<0.000000e+00> : vector<16xf32>
    %reduce_sum3A_31 = vector.multi_reduction <add>, %reshape3A_30, %reduce_sum3A [1, 2] : vector<16x16x1024xf32> to vector<16xf32>
    %broadcast_in_dim3A = vector.shape_cast %reduce_sum3A_31 : vector<16xf32> to vector<16x1x1xf32>
    %div3A = arith.constant 1.638400e+04 : f32
    %div3A_32 = vector.broadcast %div3A : f32 to vector<16x1x1xf32>
    %div3A_33 = arith.divf %broadcast_in_dim3A, %div3A_32 : vector<16x1x1xf32>
    %sub3A = vector.broadcast %div3A_33 : vector<16x1x1xf32> to vector<16x16x1024xf32>
    %sub3A_34 = arith.subf %reshape3A_30, %sub3A : vector<16x16x1024xf32>
    %integer_pow3A = arith.mulf %sub3A_34, %sub3A_34 : vector<16x16x1024xf32>
    %reduce_sum3A_35 = arith.constant dense<0.000000e+00> : vector<16xf32>
    %reduce_sum3A_36 = vector.multi_reduction <add>, %integer_pow3A, %reduce_sum3A_35 [1, 2] : vector<16x16x1024xf32> to vector<16xf32>
    %broadcast_in_dim3A_37 = vector.shape_cast %reduce_sum3A_36 : vector<16xf32> to vector<16x1x1xf32>
    %div3A_38 = arith.constant 1.638400e+04 : f32
    %div3A_39 = vector.broadcast %div3A_38 : f32 to vector<16x1x1xf32>
    %div3A_40 = arith.divf %broadcast_in_dim3A_37, %div3A_39 : vector<16x1x1xf32>
    %reshape3A_41 = vector.shape_cast %div3A_33 : vector<16x1x1xf32> to vector<16x1xf32>
    %transpose3A_42 = tpu.transpose %reshape3A_41, [1, 0] : vector<16x1xf32> -> vector<1x16xf32>
    %reshape3A_43 = vector.shape_cast %div3A_40 : vector<16x1x1xf32> to vector<16x1xf32>
    %transpose3A_44 = tpu.transpose %reshape3A_43, [1, 0] : vector<16x1xf32> -> vector<1x16xf32>
    %dot_general3A_45 = arith.constant dense<0.000000e+00> : vector<1x256xf32>
    %dot_general3A_46 = tpu.matmul %transpose3A_42, %get3A_1, %dot_general3A_45 {dimension_numbers = #tpu.dot_dimension_numbers<[1], [1], [0], [0], [0, 0, 1, 0], [], []>, precision = #tpu.contract_precision<fp32>, transpose_lhs_hint = false} : vector<1x16xf32>, vector<256x16xf32>, vector<1x256xf32> -> vector<1x256xf32>
    %dot_general3A_47 = arith.constant dense<0.000000e+00> : vector<1x256xf32>
    %dot_general3A_48 = tpu.matmul %transpose3A_44, %get3A_1, %dot_general3A_47 {dimension_numbers = #tpu.dot_dimension_numbers<[1], [1], [0], [0], [0, 0, 1, 0], [], []>, precision = #tpu.contract_precision<fp32>, transpose_lhs_hint = false} : vector<1x16xf32>, vector<256x16xf32>, vector<1x256xf32> -> vector<1x256xf32>
    %sub3A_49 = vector.broadcast %dot_general3A_46 : vector<1x256xf32> to vector<1024x256xf32>
    %sub3A_50 = arith.subf %dot_general3A_28, %sub3A_49 : vector<1024x256xf32>
    %add3A = arith.constant 9.99999974E-6 : f32
    %add3A_51 = vector.broadcast %add3A : f32 to vector<1x256xf32>
    %add3A_52 = arith.addf %dot_general3A_48, %add3A_51 : vector<1x256xf32>
    %sqrt3A = math.sqrt %add3A_52 : vector<1x256xf32>
    %div3A_53 = vector.broadcast %sqrt3A : vector<1x256xf32> to vector<1024x256xf32>
    %div3A_54 = arith.divf %sub3A_50, %div3A_53 : vector<1024x256xf32>
    %broadcast_in_dim3A_55 = vector.shape_cast %get3A_3 : vector<256xf32> to vector<1x256xf32>
    %mul3A = vector.broadcast %broadcast_in_dim3A_55 : vector<1x256xf32> to vector<1024x256xf32>
    %mul3A_56 = arith.mulf %div3A_54, %mul3A : vector<1024x256xf32>
    %broadcast_in_dim3A_57 = vector.shape_cast %get3A_5 : vector<256xf32> to vector<1x256xf32>
    %add3A_58 = vector.broadcast %broadcast_in_dim3A_57 : vector<1x256xf32> to vector<1024x256xf32>
    %add3A_59 = arith.addf %mul3A_56, %add3A_58 : vector<1024x256xf32>
    %max3A = arith.constant 0.000000e+00 : f32
    %max3A_60 = vector.broadcast %max3A : f32 to vector<1024x256xf32>
    %max3A_61 = arith.maximumf %add3A_59, %max3A_60 : vector<1024x256xf32>
    %convert_element_type3A_62 = arith.truncf %max3A_61 : vector<1024x256xf32> to vector<1024x256xbf16>
    %jit3A_63 = arith.constant 0 : i32
    %convert_element_type3A_64 = arith.sitofp %jit3A_63 : i32 to bf16
    %pad3A_65 = vector.broadcast %convert_element_type3A_64 : bf16 to vector<1x256xbf16>
    %pad3A_66 = tpu.concatenate %pad3A_65, %convert_element_type3A_62 in 0 : vector<1x256xbf16>, vector<1024x256xbf16> -> vector<1025x256xbf16>
    %pad3A_67 = vector.broadcast %convert_element_type3A_64 : bf16 to vector<1x256xbf16>
    %pad3A_68 = tpu.concatenate %pad3A_66, %pad3A_67 in 0 : vector<1025x256xbf16>, vector<1x256xbf16> -> vector<1026x256xbf16>
    %slice3A_69 = vector.extract_strided_slice %pad3A_68 {offsets = [0, 0], sizes = [1024, 256], strides = [1, 1]} : vector<1026x256xbf16> to vector<1024x256xbf16>
    %slice3A_70 = vector.extract_strided_slice %pad3A_68 {offsets = [1, 0], sizes = [1024, 256], strides = [1, 1]} : vector<1026x256xbf16> to vector<1024x256xbf16>
    %slice3A_71 = vector.extract_strided_slice %pad3A_68 {offsets = [2, 0], sizes = [1024, 256], strides = [1, 1]} : vector<1026x256xbf16> to vector<1024x256xbf16>
    %concatenate3A_72 = tpu.concatenate %slice3A_69, %slice3A_70, %slice3A_71 in 1 : vector<1024x256xbf16>, vector<1024x256xbf16>, vector<1024x256xbf16> -> vector<1024x768xbf16>
    %get3A_73 = arith.constant 0 : index
    %get3A_74 = arith.constant 0 : index
    %get3A_75 = arith.constant 0 : index
    %get3A_76 = vector.load %arg5[%get3A_73, %get3A_74, %get3A_75] : memref<3x256x256xf32, #tpu.memory_space<vmem>>, vector<3x256x256xf32>
    %reshape3A_77 = vector.shape_cast %get3A_76 : vector<3x256x256xf32> to vector<768x256xf32>
    %convert_element_type3A_78 = arith.truncf %reshape3A_77 : vector<768x256xf32> to vector<768x256xbf16>
    %dot_general3A_79 = arith.constant dense<0.000000e+00> : vector<1024x256xf32>
    %dot_general3A_80 = tpu.matmul %concatenate3A_72, %convert_element_type3A_78, %dot_general3A_79 {dimension_numbers = #tpu.dot_dimension_numbers<[1], [0], [0], [1], [0, 0, 1, 1], [], []>, transpose_lhs_hint = false} : vector<1024x768xbf16>, vector<768x256xbf16>, vector<1024x256xf32> -> vector<1024x256xf32>
    %transpose3A_81 = tpu.transpose %dot_general3A_80, [1, 0] : vector<1024x256xf32> -> vector<256x1024xf32>
    %reshape3A_82 = vector.shape_cast %transpose3A_81 : vector<256x1024xf32> to vector<16x16x1024xf32>
    %reduce_sum3A_83 = arith.constant dense<0.000000e+00> : vector<16xf32>
    %reduce_sum3A_84 = vector.multi_reduction <add>, %reshape3A_82, %reduce_sum3A_83 [1, 2] : vector<16x16x1024xf32> to vector<16xf32>
    %broadcast_in_dim3A_85 = vector.shape_cast %reduce_sum3A_84 : vector<16xf32> to vector<16x1x1xf32>
    %div3A_86 = arith.constant 1.638400e+04 : f32
    %div3A_87 = vector.broadcast %div3A_86 : f32 to vector<16x1x1xf32>
    %div3A_88 = arith.divf %broadcast_in_dim3A_85, %div3A_87 : vector<16x1x1xf32>
    %sub3A_89 = vector.broadcast %div3A_88 : vector<16x1x1xf32> to vector<16x16x1024xf32>
    %sub3A_90 = arith.subf %reshape3A_82, %sub3A_89 : vector<16x16x1024xf32>
    %integer_pow3A_91 = arith.mulf %sub3A_90, %sub3A_90 : vector<16x16x1024xf32>
    %reduce_sum3A_92 = arith.constant dense<0.000000e+00> : vector<16xf32>
    %reduce_sum3A_93 = vector.multi_reduction <add>, %integer_pow3A_91, %reduce_sum3A_92 [1, 2] : vector<16x16x1024xf32> to vector<16xf32>
    %broadcast_in_dim3A_94 = vector.shape_cast %reduce_sum3A_93 : vector<16xf32> to vector<16x1x1xf32>
    %div3A_95 = arith.constant 1.638400e+04 : f32
    %div3A_96 = vector.broadcast %div3A_95 : f32 to vector<16x1x1xf32>
    %div3A_97 = arith.divf %broadcast_in_dim3A_94, %div3A_96 : vector<16x1x1xf32>
    %reshape3A_98 = vector.shape_cast %div3A_88 : vector<16x1x1xf32> to vector<16x1xf32>
    %transpose3A_99 = tpu.transpose %reshape3A_98, [1, 0] : vector<16x1xf32> -> vector<1x16xf32>
    %reshape3A_100 = vector.shape_cast %div3A_97 : vector<16x1x1xf32> to vector<16x1xf32>
    %transpose3A_101 = tpu.transpose %reshape3A_100, [1, 0] : vector<16x1xf32> -> vector<1x16xf32>
    %dot_general3A_102 = arith.constant dense<0.000000e+00> : vector<1x256xf32>
    %dot_general3A_103 = tpu.matmul %transpose3A_99, %get3A_1, %dot_general3A_102 {dimension_numbers = #tpu.dot_dimension_numbers<[1], [1], [0], [0], [0, 0, 1, 0], [], []>, precision = #tpu.contract_precision<fp32>, transpose_lhs_hint = false} : vector<1x16xf32>, vector<256x16xf32>, vector<1x256xf32> -> vector<1x256xf32>
    %dot_general3A_104 = arith.constant dense<0.000000e+00> : vector<1x256xf32>
    %dot_general3A_105 = tpu.matmul %transpose3A_101, %get3A_1, %dot_general3A_104 {dimension_numbers = #tpu.dot_dimension_numbers<[1], [1], [0], [0], [0, 0, 1, 0], [], []>, precision = #tpu.contract_precision<fp32>, transpose_lhs_hint = false} : vector<1x16xf32>, vector<256x16xf32>, vector<1x256xf32> -> vector<1x256xf32>
    %sub3A_106 = vector.broadcast %dot_general3A_103 : vector<1x256xf32> to vector<1024x256xf32>
    %sub3A_107 = arith.subf %dot_general3A_80, %sub3A_106 : vector<1024x256xf32>
    %add3A_108 = arith.constant 9.99999974E-6 : f32
    %add3A_109 = vector.broadcast %add3A_108 : f32 to vector<1x256xf32>
    %add3A_110 = arith.addf %dot_general3A_105, %add3A_109 : vector<1x256xf32>
    %sqrt3A_111 = math.sqrt %add3A_110 : vector<1x256xf32>
    %div3A_112 = vector.broadcast %sqrt3A_111 : vector<1x256xf32> to vector<1024x256xf32>
    %div3A_113 = arith.divf %sub3A_107, %div3A_112 : vector<1024x256xf32>
    %broadcast_in_dim3A_114 = vector.shape_cast %get3A_7 : vector<256xf32> to vector<1x256xf32>
    %mul3A_115 = vector.broadcast %broadcast_in_dim3A_114 : vector<1x256xf32> to vector<1024x256xf32>
    %mul3A_116 = arith.mulf %div3A_113, %mul3A_115 : vector<1024x256xf32>
    %broadcast_in_dim3A_117 = vector.shape_cast %get3A_9 : vector<256xf32> to vector<1x256xf32>
    %add3A_118 = vector.broadcast %broadcast_in_dim3A_117 : vector<1x256xf32> to vector<1024x256xf32>
    %add3A_119 = arith.addf %mul3A_116, %add3A_118 : vector<1024x256xf32>
    %add3A_120 = arith.addf %max3A_61, %add3A_119 : vector<1024x256xf32>
    %max3A_121 = arith.constant 0.000000e+00 : f32
    %max3A_122 = vector.broadcast %max3A_121 : f32 to vector<1024x256xf32>
    %max3A_123 = arith.maximumf %add3A_120, %max3A_122 : vector<1024x256xf32>
    %reshape3A_124 = vector.shape_cast %max3A_123 : vector<1024x256xf32> to vector<512x2x256xf32>
    %reduce_max3A = arith.constant dense<0xFF800000> : vector<512x256xf32>
    %reduce_max3A_125 = vector.multi_reduction <maximumf>, %reshape3A_124, %reduce_max3A [1] : vector<512x2x256xf32> to vector<512x256xf32>
    %convert_element_type3A_126 = arith.truncf %reduce_max3A_125 : vector<512x256xf32> to vector<512x256xbf16>
    %jit3A_127 = arith.constant 0 : i32
    %convert_element_type3A_128 = arith.sitofp %jit3A_127 : i32 to bf16
    %pad3A_129 = vector.broadcast %convert_element_type3A_128 : bf16 to vector<1x256xbf16>
    %pad3A_130 = tpu.concatenate %pad3A_129, %convert_element_type3A_126 in 0 : vector<1x256xbf16>, vector<512x256xbf16> -> vector<513x256xbf16>
    %pad3A_131 = vector.broadcast %convert_element_type3A_128 : bf16 to vector<1x256xbf16>
    %pad3A_132 = tpu.concatenate %pad3A_130, %pad3A_131 in 0 : vector<513x256xbf16>, vector<1x256xbf16> -> vector<514x256xbf16>
    %slice3A_133 = vector.extract_strided_slice %pad3A_132 {offsets = [0, 0], sizes = [512, 256], strides = [1, 1]} : vector<514x256xbf16> to vector<512x256xbf16>
    %slice3A_134 = vector.extract_strided_slice %pad3A_132 {offsets = [1, 0], sizes = [512, 256], strides = [1, 1]} : vector<514x256xbf16> to vector<512x256xbf16>
    %slice3A_135 = vector.extract_strided_slice %pad3A_132 {offsets = [2, 0], sizes = [512, 256], strides = [1, 1]} : vector<514x256xbf16> to vector<512x256xbf16>
    %concatenate3A_136 = tpu.concatenate %slice3A_133, %slice3A_134, %slice3A_135 in 1 : vector<512x256xbf16>, vector<512x256xbf16>, vector<512x256xbf16> -> vector<512x768xbf16>
    %get3A_137 = arith.constant 0 : index
    %get3A_138 = arith.constant 0 : index
    %get3A_139 = arith.constant 0 : index
    %get3A_140 = vector.load %arg5[%get3A_137, %get3A_138, %get3A_139] : memref<3x256x256xf32, #tpu.memory_space<vmem>>, vector<3x256x256xf32>
    %reshape3A_141 = vector.shape_cast %get3A_140 : vector<3x256x256xf32> to vector<768x256xf32>
    %convert_element_type3A_142 = arith.truncf %reshape3A_141 : vector<768x256xf32> to vector<768x256xbf16>
    %dot_general3A_143 = arith.constant dense<0.000000e+00> : vector<512x256xf32>
    %dot_general3A_144 = tpu.matmul %concatenate3A_136, %convert_element_type3A_142, %dot_general3A_143 {dimension_numbers = #tpu.dot_dimension_numbers<[1], [0], [0], [1], [0, 0, 1, 1], [], []>, transpose_lhs_hint = false} : vector<512x768xbf16>, vector<768x256xbf16>, vector<512x256xf32> -> vector<512x256xf32>
    %transpose3A_145 = tpu.transpose %dot_general3A_144, [1, 0] : vector<512x256xf32> -> vector<256x512xf32>
    %reshape3A_146 = vector.shape_cast %transpose3A_145 : vector<256x512xf32> to vector<16x16x512xf32>
    %reduce_sum3A_147 = arith.constant dense<0.000000e+00> : vector<16xf32>
    %reduce_sum3A_148 = vector.multi_reduction <add>, %reshape3A_146, %reduce_sum3A_147 [1, 2] : vector<16x16x512xf32> to vector<16xf32>
    %broadcast_in_dim3A_149 = vector.shape_cast %reduce_sum3A_148 : vector<16xf32> to vector<16x1x1xf32>
    %div3A_150 = arith.constant 8.192000e+03 : f32
    %div3A_151 = vector.broadcast %div3A_150 : f32 to vector<16x1x1xf32>
    %div3A_152 = arith.divf %broadcast_in_dim3A_149, %div3A_151 : vector<16x1x1xf32>
    %sub3A_153 = vector.broadcast %div3A_152 : vector<16x1x1xf32> to vector<16x16x512xf32>
    %sub3A_154 = arith.subf %reshape3A_146, %sub3A_153 : vector<16x16x512xf32>
    %integer_pow3A_155 = arith.mulf %sub3A_154, %sub3A_154 : vector<16x16x512xf32>
    %reduce_sum3A_156 = arith.constant dense<0.000000e+00> : vector<16xf32>
    %reduce_sum3A_157 = vector.multi_reduction <add>, %integer_pow3A_155, %reduce_sum3A_156 [1, 2] : vector<16x16x512xf32> to vector<16xf32>
    %broadcast_in_dim3A_158 = vector.shape_cast %reduce_sum3A_157 : vector<16xf32> to vector<16x1x1xf32>
    %div3A_159 = arith.constant 8.192000e+03 : f32
    %div3A_160 = vector.broadcast %div3A_159 : f32 to vector<16x1x1xf32>
    %div3A_161 = arith.divf %broadcast_in_dim3A_158, %div3A_160 : vector<16x1x1xf32>
    %reshape3A_162 = vector.shape_cast %div3A_152 : vector<16x1x1xf32> to vector<16x1xf32>
    %transpose3A_163 = tpu.transpose %reshape3A_162, [1, 0] : vector<16x1xf32> -> vector<1x16xf32>
    %reshape3A_164 = vector.shape_cast %div3A_161 : vector<16x1x1xf32> to vector<16x1xf32>
    %transpose3A_165 = tpu.transpose %reshape3A_164, [1, 0] : vector<16x1xf32> -> vector<1x16xf32>
    %dot_general3A_166 = arith.constant dense<0.000000e+00> : vector<1x256xf32>
    %dot_general3A_167 = tpu.matmul %transpose3A_163, %get3A_1, %dot_general3A_166 {dimension_numbers = #tpu.dot_dimension_numbers<[1], [1], [0], [0], [0, 0, 1, 0], [], []>, precision = #tpu.contract_precision<fp32>, transpose_lhs_hint = false} : vector<1x16xf32>, vector<256x16xf32>, vector<1x256xf32> -> vector<1x256xf32>
    %dot_general3A_168 = arith.constant dense<0.000000e+00> : vector<1x256xf32>
    %dot_general3A_169 = tpu.matmul %transpose3A_165, %get3A_1, %dot_general3A_168 {dimension_numbers = #tpu.dot_dimension_numbers<[1], [1], [0], [0], [0, 0, 1, 0], [], []>, precision = #tpu.contract_precision<fp32>, transpose_lhs_hint = false} : vector<1x16xf32>, vector<256x16xf32>, vector<1x256xf32> -> vector<1x256xf32>
    %sub3A_170 = vector.broadcast %dot_general3A_167 : vector<1x256xf32> to vector<512x256xf32>
    %sub3A_171 = arith.subf %dot_general3A_144, %sub3A_170 : vector<512x256xf32>
    %add3A_172 = arith.constant 9.99999974E-6 : f32
    %add3A_173 = vector.broadcast %add3A_172 : f32 to vector<1x256xf32>
    %add3A_174 = arith.addf %dot_general3A_169, %add3A_173 : vector<1x256xf32>
    %sqrt3A_175 = math.sqrt %add3A_174 : vector<1x256xf32>
    %div3A_176 = vector.broadcast %sqrt3A_175 : vector<1x256xf32> to vector<512x256xf32>
    %div3A_177 = arith.divf %sub3A_171, %div3A_176 : vector<512x256xf32>
    %broadcast_in_dim3A_178 = vector.shape_cast %get3A_7 : vector<256xf32> to vector<1x256xf32>
    %mul3A_179 = vector.broadcast %broadcast_in_dim3A_178 : vector<1x256xf32> to vector<512x256xf32>
    %mul3A_180 = arith.mulf %div3A_177, %mul3A_179 : vector<512x256xf32>
    %broadcast_in_dim3A_181 = vector.shape_cast %get3A_9 : vector<256xf32> to vector<1x256xf32>
    %add3A_182 = vector.broadcast %broadcast_in_dim3A_181 : vector<1x256xf32> to vector<512x256xf32>
    %add3A_183 = arith.addf %mul3A_180, %add3A_182 : vector<512x256xf32>
    %add3A_184 = arith.addf %reduce_max3A_125, %add3A_183 : vector<512x256xf32>
    %max3A_185 = arith.constant 0.000000e+00 : f32
    %max3A_186 = vector.broadcast %max3A_185 : f32 to vector<512x256xf32>
    %max3A_187 = arith.maximumf %add3A_184, %max3A_186 : vector<512x256xf32>
    %reshape3A_188 = vector.shape_cast %max3A_187 : vector<512x256xf32> to vector<256x2x256xf32>
    %reduce_max3A_189 = arith.constant dense<0xFF800000> : vector<256x256xf32>
    %reduce_max3A_190 = vector.multi_reduction <maximumf>, %reshape3A_188, %reduce_max3A_189 [1] : vector<256x2x256xf32> to vector<256x256xf32>
    %convert_element_type3A_191 = arith.truncf %reduce_max3A_190 : vector<256x256xf32> to vector<256x256xbf16>
    %jit3A_192 = arith.constant 0 : i32
    %convert_element_type3A_193 = arith.sitofp %jit3A_192 : i32 to bf16
    %pad3A_194 = vector.broadcast %convert_element_type3A_193 : bf16 to vector<1x256xbf16>
    %pad3A_195 = tpu.concatenate %pad3A_194, %convert_element_type3A_191 in 0 : vector<1x256xbf16>, vector<256x256xbf16> -> vector<257x256xbf16>
    %pad3A_196 = vector.broadcast %convert_element_type3A_193 : bf16 to vector<1x256xbf16>
    %pad3A_197 = tpu.concatenate %pad3A_195, %pad3A_196 in 0 : vector<257x256xbf16>, vector<1x256xbf16> -> vector<258x256xbf16>
    %slice3A_198 = vector.extract_strided_slice %pad3A_197 {offsets = [0, 0], sizes = [256, 256], strides = [1, 1]} : vector<258x256xbf16> to vector<256x256xbf16>
    %slice3A_199 = vector.extract_strided_slice %pad3A_197 {offsets = [1, 0], sizes = [256, 256], strides = [1, 1]} : vector<258x256xbf16> to vector<256x256xbf16>
    %slice3A_200 = vector.extract_strided_slice %pad3A_197 {offsets = [2, 0], sizes = [256, 256], strides = [1, 1]} : vector<258x256xbf16> to vector<256x256xbf16>
    %concatenate3A_201 = tpu.concatenate %slice3A_198, %slice3A_199, %slice3A_200 in 1 : vector<256x256xbf16>, vector<256x256xbf16>, vector<256x256xbf16> -> vector<256x768xbf16>
    %get3A_202 = arith.constant 0 : index
    %get3A_203 = arith.constant 0 : index
    %get3A_204 = arith.constant 0 : index
    %get3A_205 = vector.load %arg8[%get3A_202, %get3A_203, %get3A_204] : memref<3x256x64xf32, #tpu.memory_space<vmem>>, vector<3x256x64xf32>
    %reshape3A_206 = vector.shape_cast %get3A_205 : vector<3x256x64xf32> to vector<768x64xf32>
    %convert_element_type3A_207 = arith.truncf %reshape3A_206 : vector<768x64xf32> to vector<768x64xbf16>
    %dot_general3A_208 = arith.constant dense<0.000000e+00> : vector<256x64xf32>
    %dot_general3A_209 = tpu.matmul %concatenate3A_201, %convert_element_type3A_207, %dot_general3A_208 {dimension_numbers = #tpu.dot_dimension_numbers<[1], [0], [0], [1], [0, 0, 1, 1], [], []>, transpose_lhs_hint = false} : vector<256x768xbf16>, vector<768x64xbf16>, vector<256x64xf32> -> vector<256x64xf32>
    %swap3A = arith.constant 0 : index
    %swap3A_210 = arith.constant 0 : index
    %swap3A_211 = arith.constant 0 : index
    %swap3A_212 = vector.load %arg10[%swap3A, %swap3A_210, %swap3A_211] : memref<2x256x64xf32, #tpu.memory_space<vmem>>, vector<1x256x64xf32>
    %swap3A_213 = vector.shape_cast %swap3A_212 : vector<1x256x64xf32> to vector<256x64xf32>
    %swap3A_214 = vector.shape_cast %dot_general3A_209 : vector<256x64xf32> to vector<1x256x64xf32>
    tpu.vector_store %arg10[%swap3A, %swap3A_210, %swap3A_211], %swap3A_214 {strides = array<i32>} : memref<2x256x64xf32, #tpu.memory_space<vmem>>, vector<1x256x64xf32>,
    %get3A_215 = arith.constant 1 : index
    %get3A_216 = arith.constant 0 : index
    %get3A_217 = arith.constant 0 : index
    %get3A_218 = vector.load %arg1[%get3A_215, %get3A_216, %get3A_217] : memref<2x80x1024xf32, #tpu.memory_space<vmem>>, vector<1x80x1024xf32>
    %get3A_219 = vector.shape_cast %get3A_218 : vector<1x80x1024xf32> to vector<80x1024xf32>
    %transpose3A_220 = tpu.transpose %get3A_219, [1, 0] : vector<80x1024xf32> -> vector<1024x80xf32>
    %convert_element_type3A_221 = arith.truncf %transpose3A_220 : vector<1024x80xf32> to vector<1024x80xbf16>
    %jit3A_222 = arith.constant 0 : i32
    %convert_element_type3A_223 = arith.sitofp %jit3A_222 : i32 to bf16
    %pad3A_224 = vector.broadcast %convert_element_type3A_223 : bf16 to vector<2x80xbf16>
    %pad3A_225 = tpu.concatenate %pad3A_224, %convert_element_type3A_221 in 0 : vector<2x80xbf16>, vector<1024x80xbf16> -> vector<1026x80xbf16>
    %pad3A_226 = vector.broadcast %convert_element_type3A_223 : bf16 to vector<2x80xbf16>
    %pad3A_227 = tpu.concatenate %pad3A_225, %pad3A_226 in 0 : vector<1026x80xbf16>, vector<2x80xbf16> -> vector<1028x80xbf16>
    %slice3A_228 = vector.extract_strided_slice %pad3A_227 {offsets = [0, 0], sizes = [1024, 80], strides = [1, 1]} : vector<1028x80xbf16> to vector<1024x80xbf16>
    %slice3A_229 = vector.extract_strided_slice %pad3A_227 {offsets = [1, 0], sizes = [1024, 80], strides = [1, 1]} : vector<1028x80xbf16> to vector<1024x80xbf16>
    %slice3A_230 = vector.extract_strided_slice %pad3A_227 {offsets = [2, 0], sizes = [1024, 80], strides = [1, 1]} : vector<1028x80xbf16> to vector<1024x80xbf16>
    %slice3A_231 = vector.extract_strided_slice %pad3A_227 {offsets = [3, 0], sizes = [1024, 80], strides = [1, 1]} : vector<1028x80xbf16> to vector<1024x80xbf16>
    %slice3A_232 = vector.extract_strided_slice %pad3A_227 {offsets = [4, 0], sizes = [1024, 80], strides = [1, 1]} : vector<1028x80xbf16> to vector<1024x80xbf16>
    %concatenate3A_233 = tpu.concatenate %slice3A_228, %slice3A_229, %slice3A_230, %slice3A_231, %slice3A_232 in 1 : vector<1024x80xbf16>, vector<1024x80xbf16>, vector<1024x80xbf16>, vector<1024x80xbf16>, vector<1024x80xbf16> -> vector<1024x400xbf16>
    %get3A_234 = arith.constant 0 : index
    %get3A_235 = arith.constant 0 : index
    %get3A_236 = arith.constant 0 : index
    %get3A_237 = vector.load %arg2[%get3A_234, %get3A_235, %get3A_236] : memref<5x80x256xf32, #tpu.memory_space<vmem>>, vector<5x80x256xf32>
    %reshape3A_238 = vector.shape_cast %get3A_237 : vector<5x80x256xf32> to vector<400x256xf32>
    %convert_element_type3A_239 = arith.truncf %reshape3A_238 : vector<400x256xf32> to vector<400x256xbf16>
    %dot_general3A_240 = arith.constant dense<0.000000e+00> : vector<1024x256xf32>
    %dot_general3A_241 = tpu.matmul %concatenate3A_233, %convert_element_type3A_239, %dot_general3A_240 {dimension_numbers = #tpu.dot_dimension_numbers<[1], [0], [0], [1], [0, 0, 1, 1], [], []>, transpose_lhs_hint = false} : vector<1024x400xbf16>, vector<400x256xbf16>, vector<1024x256xf32> -> vector<1024x256xf32>
    %transpose3A_242 = tpu.transpose %dot_general3A_241, [1, 0] : vector<1024x256xf32> -> vector<256x1024xf32>
    %reshape3A_243 = vector.shape_cast %transpose3A_242 : vector<256x1024xf32> to vector<16x16x1024xf32>
    %reduce_sum3A_244 = arith.constant dense<0.000000e+00> : vector<16xf32>
    %reduce_sum3A_245 = vector.multi_reduction <add>, %reshape3A_243, %reduce_sum3A_244 [1, 2] : vector<16x16x1024xf32> to vector<16xf32>
    %broadcast_in_dim3A_246 = vector.shape_cast %reduce_sum3A_245 : vector<16xf32> to vector<16x1x1xf32>
    %div3A_247 = arith.constant 1.638400e+04 : f32
    %div3A_248 = vector.broadcast %div3A_247 : f32 to vector<16x1x1xf32>
    %div3A_249 = arith.divf %broadcast_in_dim3A_246, %div3A_248 : vector<16x1x1xf32>
    %sub3A_250 = vector.broadcast %div3A_249 : vector<16x1x1xf32> to vector<16x16x1024xf32>
    %sub3A_251 = arith.subf %reshape3A_243, %sub3A_250 : vector<16x16x1024xf32>
    %integer_pow3A_252 = arith.mulf %sub3A_251, %sub3A_251 : vector<16x16x1024xf32>
    %reduce_sum3A_253 = arith.constant dense<0.000000e+00> : vector<16xf32>
    %reduce_sum3A_254 = vector.multi_reduction <add>, %integer_pow3A_252, %reduce_sum3A_253 [1, 2] : vector<16x16x1024xf32> to vector<16xf32>
    %broadcast_in_dim3A_255 = vector.shape_cast %reduce_sum3A_254 : vector<16xf32> to vector<16x1x1xf32>
    %div3A_256 = arith.constant 1.638400e+04 : f32
    %div3A_257 = vector.broadcast %div3A_256 : f32 to vector<16x1x1xf32>
    %div3A_258 = arith.divf %broadcast_in_dim3A_255, %div3A_257 : vector<16x1x1xf32>
    %reshape3A_259 = vector.shape_cast %div3A_249 : vector<16x1x1xf32> to vector<16x1xf32>
    %transpose3A_260 = tpu.transpose %reshape3A_259, [1, 0] : vector<16x1xf32> -> vector<1x16xf32>
    %reshape3A_261 = vector.shape_cast %div3A_258 : vector<16x1x1xf32> to vector<16x1xf32>
    %transpose3A_262 = tpu.transpose %reshape3A_261, [1, 0] : vector<16x1xf32> -> vector<1x16xf32>
    %dot_general3A_263 = arith.constant dense<0.000000e+00> : vector<1x256xf32>
    %dot_general3A_264 = tpu.matmul %transpose3A_260, %get3A_1, %dot_general3A_263 {dimension_numbers = #tpu.dot_dimension_numbers<[1], [1], [0], [0], [0, 0, 1, 0], [], []>, precision = #tpu.contract_precision<fp32>, transpose_lhs_hint = false} : vector<1x16xf32>, vector<256x16xf32>, vector<1x256xf32> -> vector<1x256xf32>
    %dot_general3A_265 = arith.constant dense<0.000000e+00> : vector<1x256xf32>
    %dot_general3A_266 = tpu.matmul %transpose3A_262, %get3A_1, %dot_general3A_265 {dimension_numbers = #tpu.dot_dimension_numbers<[1], [1], [0], [0], [0, 0, 1, 0], [], []>, precision = #tpu.contract_precision<fp32>, transpose_lhs_hint = false} : vector<1x16xf32>, vector<256x16xf32>, vector<1x256xf32> -> vector<1x256xf32>
    %sub3A_267 = vector.broadcast %dot_general3A_264 : vector<1x256xf32> to vector<1024x256xf32>
    %sub3A_268 = arith.subf %dot_general3A_241, %sub3A_267 : vector<1024x256xf32>
    %add3A_269 = arith.constant 9.99999974E-6 : f32
    %add3A_270 = vector.broadcast %add3A_269 : f32 to vector<1x256xf32>
    %add3A_271 = arith.addf %dot_general3A_266, %add3A_270 : vector<1x256xf32>
    %sqrt3A_272 = math.sqrt %add3A_271 : vector<1x256xf32>
    %div3A_273 = vector.broadcast %sqrt3A_272 : vector<1x256xf32> to vector<1024x256xf32>
    %div3A_274 = arith.divf %sub3A_268, %div3A_273 : vector<1024x256xf32>
    %broadcast_in_dim3A_275 = vector.shape_cast %get3A_3 : vector<256xf32> to vector<1x256xf32>
    %mul3A_276 = vector.broadcast %broadcast_in_dim3A_275 : vector<1x256xf32> to vector<1024x256xf32>
    %mul3A_277 = arith.mulf %div3A_274, %mul3A_276 : vector<1024x256xf32>
    %broadcast_in_dim3A_278 = vector.shape_cast %get3A_5 : vector<256xf32> to vector<1x256xf32>
    %add3A_279 = vector.broadcast %broadcast_in_dim3A_278 : vector<1x256xf32> to vector<1024x256xf32>
    %add3A_280 = arith.addf %mul3A_277, %add3A_279 : vector<1024x256xf32>
    %max3A_281 = arith.constant 0.000000e+00 : f32
    %max3A_282 = vector.broadcast %max3A_281 : f32 to vector<1024x256xf32>
    %max3A_283 = arith.maximumf %add3A_280, %max3A_282 : vector<1024x256xf32>
    %convert_element_type3A_284 = arith.truncf %max3A_283 : vector<1024x256xf32> to vector<1024x256xbf16>
    %jit3A_285 = arith.constant 0 : i32
    %convert_element_type3A_286 = arith.sitofp %jit3A_285 : i32 to bf16
    %pad3A_287 = vector.broadcast %convert_element_type3A_286 : bf16 to vector<1x256xbf16>
    %pad3A_288 = tpu.concatenate %pad3A_287, %convert_element_type3A_284 in 0 : vector<1x256xbf16>, vector<1024x256xbf16> -> vector<1025x256xbf16>
    %pad3A_289 = vector.broadcast %convert_element_type3A_286 : bf16 to vector<1x256xbf16>
    %pad3A_290 = tpu.concatenate %pad3A_288, %pad3A_289 in 0 : vector<1025x256xbf16>, vector<1x256xbf16> -> vector<1026x256xbf16>
    %slice3A_291 = vector.extract_strided_slice %pad3A_290 {offsets = [0, 0], sizes = [1024, 256], strides = [1, 1]} : vector<1026x256xbf16> to vector<1024x256xbf16>
    %slice3A_292 = vector.extract_strided_slice %pad3A_290 {offsets = [1, 0], sizes = [1024, 256], strides = [1, 1]} : vector<1026x256xbf16> to vector<1024x256xbf16>
    %slice3A_293 = vector.extract_strided_slice %pad3A_290 {offsets = [2, 0], sizes = [1024, 256], strides = [1, 1]} : vector<1026x256xbf16> to vector<1024x256xbf16>
    %concatenate3A_294 = tpu.concatenate %slice3A_291, %slice3A_292, %slice3A_293 in 1 : vector<1024x256xbf16>, vector<1024x256xbf16>, vector<1024x256xbf16> -> vector<1024x768xbf16>
    %get3A_295 = arith.constant 0 : index
    %get3A_296 = arith.constant 0 : index
    %get3A_297 = arith.constant 0 : index
    %get3A_298 = vector.load %arg5[%get3A_295, %get3A_296, %get3A_297] : memref<3x256x256xf32, #tpu.memory_space<vmem>>, vector<3x256x256xf32>
    %reshape3A_299 = vector.shape_cast %get3A_298 : vector<3x256x256xf32> to vector<768x256xf32>
    %convert_element_type3A_300 = arith.truncf %reshape3A_299 : vector<768x256xf32> to vector<768x256xbf16>
    %dot_general3A_301 = arith.constant dense<0.000000e+00> : vector<1024x256xf32>
    %dot_general3A_302 = tpu.matmul %concatenate3A_294, %convert_element_type3A_300, %dot_general3A_301 {dimension_numbers = #tpu.dot_dimension_numbers<[1], [0], [0], [1], [0, 0, 1, 1], [], []>, transpose_lhs_hint = false} : vector<1024x768xbf16>, vector<768x256xbf16>, vector<1024x256xf32> -> vector<1024x256xf32>
    %transpose3A_303 = tpu.transpose %dot_general3A_302, [1, 0] : vector<1024x256xf32> -> vector<256x1024xf32>
    %reshape3A_304 = vector.shape_cast %transpose3A_303 : vector<256x1024xf32> to vector<16x16x1024xf32>
    %reduce_sum3A_305 = arith.constant dense<0.000000e+00> : vector<16xf32>
    %reduce_sum3A_306 = vector.multi_reduction <add>, %reshape3A_304, %reduce_sum3A_305 [1, 2] : vector<16x16x1024xf32> to vector<16xf32>
    %broadcast_in_dim3A_307 = vector.shape_cast %reduce_sum3A_306 : vector<16xf32> to vector<16x1x1xf32>
    %div3A_308 = arith.constant 1.638400e+04 : f32
    %div3A_309 = vector.broadcast %div3A_308 : f32 to vector<16x1x1xf32>
    %div3A_310 = arith.divf %broadcast_in_dim3A_307, %div3A_309 : vector<16x1x1xf32>
    %sub3A_311 = vector.broadcast %div3A_310 : vector<16x1x1xf32> to vector<16x16x1024xf32>
    %sub3A_312 = arith.subf %reshape3A_304, %sub3A_311 : vector<16x16x1024xf32>
    %integer_pow3A_313 = arith.mulf %sub3A_312, %sub3A_312 : vector<16x16x1024xf32>
    %reduce_sum3A_314 = arith.constant dense<0.000000e+00> : vector<16xf32>
    %reduce_sum3A_315 = vector.multi_reduction <add>, %integer_pow3A_313, %reduce_sum3A_314 [1, 2] : vector<16x16x1024xf32> to vector<16xf32>
    %broadcast_in_dim3A_316 = vector.shape_cast %reduce_sum3A_315 : vector<16xf32> to vector<16x1x1xf32>
    %div3A_317 = arith.constant 1.638400e+04 : f32
    %div3A_318 = vector.broadcast %div3A_317 : f32 to vector<16x1x1xf32>
    %div3A_319 = arith.divf %broadcast_in_dim3A_316, %div3A_318 : vector<16x1x1xf32>
    %reshape3A_320 = vector.shape_cast %div3A_310 : vector<16x1x1xf32> to vector<16x1xf32>
    %transpose3A_321 = tpu.transpose %reshape3A_320, [1, 0] : vector<16x1xf32> -> vector<1x16xf32>
    %reshape3A_322 = vector.shape_cast %div3A_319 : vector<16x1x1xf32> to vector<16x1xf32>
    %transpose3A_323 = tpu.transpose %reshape3A_322, [1, 0] : vector<16x1xf32> -> vector<1x16xf32>
    %dot_general3A_324 = arith.constant dense<0.000000e+00> : vector<1x256xf32>
    %dot_general3A_325 = tpu.matmul %transpose3A_321, %get3A_1, %dot_general3A_324 {dimension_numbers = #tpu.dot_dimension_numbers<[1], [1], [0], [0], [0, 0, 1, 0], [], []>, precision = #tpu.contract_precision<fp32>, transpose_lhs_hint = false} : vector<1x16xf32>, vector<256x16xf32>, vector<1x256xf32> -> vector<1x256xf32>
    %dot_general3A_326 = arith.constant dense<0.000000e+00> : vector<1x256xf32>
    %dot_general3A_327 = tpu.matmul %transpose3A_323, %get3A_1, %dot_general3A_326 {dimension_numbers = #tpu.dot_dimension_numbers<[1], [1], [0], [0], [0, 0, 1, 0], [], []>, precision = #tpu.contract_precision<fp32>, transpose_lhs_hint = false} : vector<1x16xf32>, vector<256x16xf32>, vector<1x256xf32> -> vector<1x256xf32>
    %sub3A_328 = vector.broadcast %dot_general3A_325 : vector<1x256xf32> to vector<1024x256xf32>
    %sub3A_329 = arith.subf %dot_general3A_302, %sub3A_328 : vector<1024x256xf32>
    %add3A_330 = arith.constant 9.99999974E-6 : f32
    %add3A_331 = vector.broadcast %add3A_330 : f32 to vector<1x256xf32>
    %add3A_332 = arith.addf %dot_general3A_327, %add3A_331 : vector<1x256xf32>
    %sqrt3A_333 = math.sqrt %add3A_332 : vector<1x256xf32>
    %div3A_334 = vector.broadcast %sqrt3A_333 : vector<1x256xf32> to vector<1024x256xf32>
    %div3A_335 = arith.divf %sub3A_329, %div3A_334 : vector<1024x256xf32>
    %broadcast_in_dim3A_336 = vector.shape_cast %get3A_7 : vector<256xf32> to vector<1x256xf32>
    %mul3A_337 = vector.broadcast %broadcast_in_dim3A_336 : vector<1x256xf32> to vector<1024x256xf32>
    %mul3A_338 = arith.mulf %div3A_335, %mul3A_337 : vector<1024x256xf32>
    %broadcast_in_dim3A_339 = vector.shape_cast %get3A_9 : vector<256xf32> to vector<1x256xf32>
    %add3A_340 = vector.broadcast %broadcast_in_dim3A_339 : vector<1x256xf32> to vector<1024x256xf32>
    %add3A_341 = arith.addf %mul3A_338, %add3A_340 : vector<1024x256xf32>
    %add3A_342 = arith.addf %max3A_283, %add3A_341 : vector<1024x256xf32>
    %max3A_343 = arith.constant 0.000000e+00 : f32
    %max3A_344 = vector.broadcast %max3A_343 : f32 to vector<1024x256xf32>
    %max3A_345 = arith.maximumf %add3A_342, %max3A_344 : vector<1024x256xf32>
    %reshape3A_346 = vector.shape_cast %max3A_345 : vector<1024x256xf32> to vector<512x2x256xf32>
    %reduce_max3A_347 = arith.constant dense<0xFF800000> : vector<512x256xf32>
    %reduce_max3A_348 = vector.multi_reduction <maximumf>, %reshape3A_346, %reduce_max3A_347 [1] : vector<512x2x256xf32> to vector<512x256xf32>
    %convert_element_type3A_349 = arith.truncf %reduce_max3A_348 : vector<512x256xf32> to vector<512x256xbf16>
    %jit3A_350 = arith.constant 0 : i32
    %convert_element_type3A_351 = arith.sitofp %jit3A_350 : i32 to bf16
    %pad3A_352 = vector.broadcast %convert_element_type3A_351 : bf16 to vector<1x256xbf16>
    %pad3A_353 = tpu.concatenate %pad3A_352, %convert_element_type3A_349 in 0 : vector<1x256xbf16>, vector<512x256xbf16> -> vector<513x256xbf16>
    %pad3A_354 = vector.broadcast %convert_element_type3A_351 : bf16 to vector<1x256xbf16>
    %pad3A_355 = tpu.concatenate %pad3A_353, %pad3A_354 in 0 : vector<513x256xbf16>, vector<1x256xbf16> -> vector<514x256xbf16>
    %slice3A_356 = vector.extract_strided_slice %pad3A_355 {offsets = [0, 0], sizes = [512, 256], strides = [1, 1]} : vector<514x256xbf16> to vector<512x256xbf16>
    %slice3A_357 = vector.extract_strided_slice %pad3A_355 {offsets = [1, 0], sizes = [512, 256], strides = [1, 1]} : vector<514x256xbf16> to vector<512x256xbf16>
    %slice3A_358 = vector.extract_strided_slice %pad3A_355 {offsets = [2, 0], sizes = [512, 256], strides = [1, 1]} : vector<514x256xbf16> to vector<512x256xbf16>
    %concatenate3A_359 = tpu.concatenate %slice3A_356, %slice3A_357, %slice3A_358 in 1 : vector<512x256xbf16>, vector<512x256xbf16>, vector<512x256xbf16> -> vector<512x768xbf16>
    %get3A_360 = arith.constant 0 : index
    %get3A_361 = arith.constant 0 : index
    %get3A_362 = arith.constant 0 : index
    %get3A_363 = vector.load %arg5[%get3A_360, %get3A_361, %get3A_362] : memref<3x256x256xf32, #tpu.memory_space<vmem>>, vector<3x256x256xf32>
    %reshape3A_364 = vector.shape_cast %get3A_363 : vector<3x256x256xf32> to vector<768x256xf32>
    %convert_element_type3A_365 = arith.truncf %reshape3A_364 : vector<768x256xf32> to vector<768x256xbf16>
    %dot_general3A_366 = arith.constant dense<0.000000e+00> : vector<512x256xf32>
    %dot_general3A_367 = tpu.matmul %concatenate3A_359, %convert_element_type3A_365, %dot_general3A_366 {dimension_numbers = #tpu.dot_dimension_numbers<[1], [0], [0], [1], [0, 0, 1, 1], [], []>, transpose_lhs_hint = false} : vector<512x768xbf16>, vector<768x256xbf16>, vector<512x256xf32> -> vector<512x256xf32>
    %transpose3A_368 = tpu.transpose %dot_general3A_367, [1, 0] : vector<512x256xf32> -> vector<256x512xf32>
    %reshape3A_369 = vector.shape_cast %transpose3A_368 : vector<256x512xf32> to vector<16x16x512xf32>
    %reduce_sum3A_370 = arith.constant dense<0.000000e+00> : vector<16xf32>
    %reduce_sum3A_371 = vector.multi_reduction <add>, %reshape3A_369, %reduce_sum3A_370 [1, 2] : vector<16x16x512xf32> to vector<16xf32>
    %broadcast_in_dim3A_372 = vector.shape_cast %reduce_sum3A_371 : vector<16xf32> to vector<16x1x1xf32>
    %div3A_373 = arith.constant 8.192000e+03 : f32
    %div3A_374 = vector.broadcast %div3A_373 : f32 to vector<16x1x1xf32>
    %div3A_375 = arith.divf %broadcast_in_dim3A_372, %div3A_374 : vector<16x1x1xf32>
    %sub3A_376 = vector.broadcast %div3A_375 : vector<16x1x1xf32> to vector<16x16x512xf32>
    %sub3A_377 = arith.subf %reshape3A_369, %sub3A_376 : vector<16x16x512xf32>
    %integer_pow3A_378 = arith.mulf %sub3A_377, %sub3A_377 : vector<16x16x512xf32>
    %reduce_sum3A_379 = arith.constant dense<0.000000e+00> : vector<16xf32>
    %reduce_sum3A_380 = vector.multi_reduction <add>, %integer_pow3A_378, %reduce_sum3A_379 [1, 2] : vector<16x16x512xf32> to vector<16xf32>
    %broadcast_in_dim3A_381 = vector.shape_cast %reduce_sum3A_380 : vector<16xf32> to vector<16x1x1xf32>
    %div3A_382 = arith.constant 8.192000e+03 : f32
    %div3A_383 = vector.broadcast %div3A_382 : f32 to vector<16x1x1xf32>
    %div3A_384 = arith.divf %broadcast_in_dim3A_381, %div3A_383 : vector<16x1x1xf32>
    %reshape3A_385 = vector.shape_cast %div3A_375 : vector<16x1x1xf32> to vector<16x1xf32>
    %transpose3A_386 = tpu.transpose %reshape3A_385, [1, 0] : vector<16x1xf32> -> vector<1x16xf32>
    %reshape3A_387 = vector.shape_cast %div3A_384 : vector<16x1x1xf32> to vector<16x1xf32>
    %transpose3A_388 = tpu.transpose %reshape3A_387, [1, 0] : vector<16x1xf32> -> vector<1x16xf32>
    %dot_general3A_389 = arith.constant dense<0.000000e+00> : vector<1x256xf32>
    %dot_general3A_390 = tpu.matmul %transpose3A_386, %get3A_1, %dot_general3A_389 {dimension_numbers = #tpu.dot_dimension_numbers<[1], [1], [0], [0], [0, 0, 1, 0], [], []>, precision = #tpu.contract_precision<fp32>, transpose_lhs_hint = false} : vector<1x16xf32>, vector<256x16xf32>, vector<1x256xf32> -> vector<1x256xf32>
    %dot_general3A_391 = arith.constant dense<0.000000e+00> : vector<1x256xf32>
    %dot_general3A_392 = tpu.matmul %transpose3A_388, %get3A_1, %dot_general3A_391 {dimension_numbers = #tpu.dot_dimension_numbers<[1], [1], [0], [0], [0, 0, 1, 0], [], []>, precision = #tpu.contract_precision<fp32>, transpose_lhs_hint = false} : vector<1x16xf32>, vector<256x16xf32>, vector<1x256xf32> -> vector<1x256xf32>
    %sub3A_393 = vector.broadcast %dot_general3A_390 : vector<1x256xf32> to vector<512x256xf32>
    %sub3A_394 = arith.subf %dot_general3A_367, %sub3A_393 : vector<512x256xf32>
    %add3A_395 = arith.constant 9.99999974E-6 : f32
    %add3A_396 = vector.broadcast %add3A_395 : f32 to vector<1x256xf32>
    %add3A_397 = arith.addf %dot_general3A_392, %add3A_396 : vector<1x256xf32>
    %sqrt3A_398 = math.sqrt %add3A_397 : vector<1x256xf32>
    %div3A_399 = vector.broadcast %sqrt3A_398 : vector<1x256xf32> to vector<512x256xf32>
    %div3A_400 = arith.divf %sub3A_394, %div3A_399 : vector<512x256xf32>
    %broadcast_in_dim3A_401 = vector.shape_cast %get3A_7 : vector<256xf32> to vector<1x256xf32>
    %mul3A_402 = vector.broadcast %broadcast_in_dim3A_401 : vector<1x256xf32> to vector<512x256xf32>
    %mul3A_403 = arith.mulf %div3A_400, %mul3A_402 : vector<512x256xf32>
    %broadcast_in_dim3A_404 = vector.shape_cast %get3A_9 : vector<256xf32> to vector<1x256xf32>
    %add3A_405 = vector.broadcast %broadcast_in_dim3A_404 : vector<1x256xf32> to vector<512x256xf32>
    %add3A_406 = arith.addf %mul3A_403, %add3A_405 : vector<512x256xf32>
    %add3A_407 = arith.addf %reduce_max3A_348, %add3A_406 : vector<512x256xf32>
    %max3A_408 = arith.constant 0.000000e+00 : f32
    %max3A_409 = vector.broadcast %max3A_408 : f32 to vector<512x256xf32>
    %max3A_410 = arith.maximumf %add3A_407, %max3A_409 : vector<512x256xf32>
    %reshape3A_411 = vector.shape_cast %max3A_410 : vector<512x256xf32> to vector<256x2x256xf32>
    %reduce_max3A_412 = arith.constant dense<0xFF800000> : vector<256x256xf32>
    %reduce_max3A_413 = vector.multi_reduction <maximumf>, %reshape3A_411, %reduce_max3A_412 [1] : vector<256x2x256xf32> to vector<256x256xf32>
    %convert_element_type3A_414 = arith.truncf %reduce_max3A_413 : vector<256x256xf32> to vector<256x256xbf16>
    %jit3A_415 = arith.constant 0 : i32
    %convert_element_type3A_416 = arith.sitofp %jit3A_415 : i32 to bf16
    %pad3A_417 = vector.broadcast %convert_element_type3A_416 : bf16 to vector<1x256xbf16>
    %pad3A_418 = tpu.concatenate %pad3A_417, %convert_element_type3A_414 in 0 : vector<1x256xbf16>, vector<256x256xbf16> -> vector<257x256xbf16>
    %pad3A_419 = vector.broadcast %convert_element_type3A_416 : bf16 to vector<1x256xbf16>
    %pad3A_420 = tpu.concatenate %pad3A_418, %pad3A_419 in 0 : vector<257x256xbf16>, vector<1x256xbf16> -> vector<258x256xbf16>
    %slice3A_421 = vector.extract_strided_slice %pad3A_420 {offsets = [0, 0], sizes = [256, 256], strides = [1, 1]} : vector<258x256xbf16> to vector<256x256xbf16>
    %slice3A_422 = vector.extract_strided_slice %pad3A_420 {offsets = [1, 0], sizes = [256, 256], strides = [1, 1]} : vector<258x256xbf16> to vector<256x256xbf16>
    %slice3A_423 = vector.extract_strided_slice %pad3A_420 {offsets = [2, 0], sizes = [256, 256], strides = [1, 1]} : vector<258x256xbf16> to vector<256x256xbf16>
    %concatenate3A_424 = tpu.concatenate %slice3A_421, %slice3A_422, %slice3A_423 in 1 : vector<256x256xbf16>, vector<256x256xbf16>, vector<256x256xbf16> -> vector<256x768xbf16>
    %get3A_425 = arith.constant 0 : index
    %get3A_426 = arith.constant 0 : index
    %get3A_427 = arith.constant 0 : index
    %get3A_428 = vector.load %arg8[%get3A_425, %get3A_426, %get3A_427] : memref<3x256x64xf32, #tpu.memory_space<vmem>>, vector<3x256x64xf32>
    %reshape3A_429 = vector.shape_cast %get3A_428 : vector<3x256x64xf32> to vector<768x64xf32>
    %convert_element_type3A_430 = arith.truncf %reshape3A_429 : vector<768x64xf32> to vector<768x64xbf16>
    %dot_general3A_431 = arith.constant dense<0.000000e+00> : vector<256x64xf32>
    %dot_general3A_432 = tpu.matmul %concatenate3A_424, %convert_element_type3A_430, %dot_general3A_431 {dimension_numbers = #tpu.dot_dimension_numbers<[1], [0], [0], [1], [0, 0, 1, 1], [], []>, transpose_lhs_hint = false} : vector<256x768xbf16>, vector<768x64xbf16>, vector<256x64xf32> -> vector<256x64xf32>
    %swap3A_433 = arith.constant 1 : index
    %swap3A_434 = arith.constant 0 : index
    %swap3A_435 = arith.constant 0 : index
    %swap3A_436 = vector.load %arg10[%swap3A_433, %swap3A_434, %swap3A_435] : memref<2x256x64xf32, #tpu.memory_space<vmem>>, vector<1x256x64xf32>
    %swap3A_437 = vector.shape_cast %swap3A_436 : vector<1x256x64xf32> to vector<256x64xf32>
    %swap3A_438 = vector.shape_cast %dot_general3A_432 : vector<256x64xf32> to vector<1x256x64xf32>
    tpu.vector_store %arg10[%swap3A_433, %swap3A_434, %swap3A_435], %swap3A_438 {strides = array<i32>} : memref<2x256x64xf32, #tpu.memory_space<vmem>>, vector<1x256x64xf32>,
    return
  }
  func.func @transform_0(%arg0: i32) -> (i32, i32, i32) {
    %c0_i32 = arith.constant 0 : i32
    %c0_i32_0 = arith.constant 0 : i32
    %c0_i32_1 = arith.constant 0 : i32
    return %arg0, %c0_i32, %c0_i32_0 : i32, i32, i32
  }
  func.func @transform_1(%arg0: i32) -> (i32, i32, i32) {
    %c0_i32 = arith.constant 0 : i32
    %c0_i32_0 = arith.constant 0 : i32
    %c0_i32_1 = arith.constant 0 : i32
    %c0_i32_2 = arith.constant 0 : i32
    return %c0_i32, %c0_i32_0, %c0_i32_1 : i32, i32, i32
  }
  func.func @transform_2(%arg0: i32) -> i32 {
    %c0_i32 = arith.constant 0 : i32
    %c0_i32_0 = arith.constant 0 : i32
    return %c0_i32 : i32
  }
  func.func @transform_3(%arg0: i32) -> i32 {
    %c0_i32 = arith.constant 0 : i32
    %c0_i32_0 = arith.constant 0 : i32
    return %c0_i32 : i32
  }
  func.func @transform_4(%arg0: i32) -> (i32, i32, i32) {
    %c0_i32 = arith.constant 0 : i32
    %c0_i32_0 = arith.constant 0 : i32
    %c0_i32_1 = arith.constant 0 : i32
    %c0_i32_2 = arith.constant 0 : i32
    return %c0_i32, %c0_i32_0, %c0_i32_1 : i32, i32, i32
  }
  func.func @transform_5(%arg0: i32) -> i32 {
    %c0_i32 = arith.constant 0 : i32
    %c0_i32_0 = arith.constant 0 : i32
    return %c0_i32 : i32
  }
  func.func @transform_6(%arg0: i32) -> i32 {
    %c0_i32 = arith.constant 0 : i32
    %c0_i32_0 = arith.constant 0 : i32
    return %c0_i32 : i32
  }
  func.func @transform_7(%arg0: i32) -> (i32, i32, i32) {
    %c0_i32 = arith.constant 0 : i32
    %c0_i32_0 = arith.constant 0 : i32
    %c0_i32_1 = arith.constant 0 : i32
    %c0_i32_2 = arith.constant 0 : i32
    return %c0_i32, %c0_i32_0, %c0_i32_1 : i32, i32, i32
  }
  func.func @transform_8(%arg0: i32) -> (i32, i32) {
    %c0_i32 = arith.constant 0 : i32
    %c0_i32_0 = arith.constant 0 : i32
    %c0_i32_1 = arith.constant 0 : i32
    return %c0_i32, %c0_i32_0 : i32, i32
  }
  func.func @transform_9(%arg0: i32) -> (i32, i32, i32) {
    %c0_i32 = arith.constant 0 : i32
    %c0_i32_0 = arith.constant 0 : i32
    %c0_i32_1 = arith.constant 0 : i32
    return %arg0, %c0_i32, %c0_i32_0 : i32, i32, i32
  }
}

module attributes {stable_mosaic.version = 14 : i64} {
  func.func @_ema_body(%arg0: memref<2x512x128xf32, #tpu.memory_space<vmem>>, %arg1: memref<512x64xf32, #tpu.memory_space<vmem>>, %arg2: memref<512x1xf32, #tpu.memory_space<vmem>>, %arg3: memref<512x128xf32, #tpu.memory_space<vmem>>) attributes {dimension_semantics = [], scalar_prefetch = 0 : i64, scratch_operands = 0 : i64, tpu.core_type = #tpu.core_type<tc>} {
    %get3A = arith.constant 0 : index
    %get3A_0 = arith.constant 0 : index
    %get3A_1 = arith.constant 0 : index
    %get3A_2 = vector.load %arg0[%get3A, %get3A_0, %get3A_1] : memref<2x512x128xf32, #tpu.memory_space<vmem>>, vector<1x512x128xf32>
    %get3A_3 = vector.shape_cast %get3A_2 : vector<1x512x128xf32> to vector<512x128xf32>
    %get3A_4 = arith.constant 1 : index
    %get3A_5 = arith.constant 0 : index
    %get3A_6 = arith.constant 0 : index
    %get3A_7 = vector.load %arg0[%get3A_4, %get3A_5, %get3A_6] : memref<2x512x128xf32, #tpu.memory_space<vmem>>, vector<1x512x128xf32>
    %get3A_8 = vector.shape_cast %get3A_7 : vector<1x512x128xf32> to vector<512x128xf32>
    %add3A = arith.addf %get3A_3, %get3A_8 : vector<512x128xf32>
    %slice3A = vector.extract_strided_slice %add3A {offsets = [0, 64], sizes = [512, 1], strides = [1, 1]} : vector<512x128xf32> to vector<512x1xf32>
    %slice3A_9 = vector.extract_strided_slice %add3A {offsets = [0, 0], sizes = [512, 64], strides = [1, 1]} : vector<512x128xf32> to vector<512x64xf32>
    %get3A_10 = arith.constant 0 : index
    %get3A_11 = arith.constant 0 : index
    %get3A_12 = vector.load %arg1[%get3A_10, %get3A_11] : memref<512x64xf32, #tpu.memory_space<vmem>>, vector<512x64xf32>
    %get3A_13 = arith.constant 0 : index
    %get3A_14 = arith.constant 0 : index
    %get3A_15 = vector.load %arg2[%get3A_13, %get3A_14] : memref<512x1xf32, #tpu.memory_space<vmem>>, vector<512x1xf32>
    %gt3A = arith.constant 0.000000e+00 : f32
    %gt3A_16 = vector.broadcast %gt3A : f32 to vector<512x1xf32>
    %gt3A_17 = arith.cmpf ogt, %slice3A, %gt3A_16 : vector<512x1xf32>
    %mul3A = arith.constant 9.900000e-01 : f32
    %mul3A_18 = vector.broadcast %mul3A : f32 to vector<512x1xf32>
    %mul3A_19 = arith.mulf %mul3A_18, %get3A_15 : vector<512x1xf32>
    %mul3A_20 = arith.constant 0.00999999977 : f32
    %mul3A_21 = vector.broadcast %mul3A_20 : f32 to vector<512x1xf32>
    %mul3A_22 = arith.mulf %mul3A_21, %slice3A : vector<512x1xf32>
    %add3A_23 = arith.addf %mul3A_19, %mul3A_22 : vector<512x1xf32>
    %select_n3A = arith.select %gt3A_17, %add3A_23, %get3A_15 : vector<512x1xi1>, vector<512x1xf32>
    %mul3A_24 = arith.constant 9.900000e-01 : f32
    %mul3A_25 = vector.broadcast %mul3A_24 : f32 to vector<512x64xf32>
    %mul3A_26 = arith.mulf %mul3A_25, %get3A_12 : vector<512x64xf32>
    %mul3A_27 = arith.constant 0.00999999977 : f32
    %mul3A_28 = vector.broadcast %mul3A_27 : f32 to vector<512x64xf32>
    %mul3A_29 = arith.mulf %mul3A_28, %slice3A_9 : vector<512x64xf32>
    %max3A = arith.constant 9.99999996E-13 : f32
    %max3A_30 = vector.broadcast %max3A : f32 to vector<512x1xf32>
    %max3A_31 = arith.maximumf %select_n3A, %max3A_30 : vector<512x1xf32>
    %div3A = vector.broadcast %max3A_31 : vector<512x1xf32> to vector<512x64xf32>
    %div3A_32 = arith.divf %mul3A_29, %div3A : vector<512x64xf32>
    %add3A_33 = arith.addf %mul3A_26, %div3A_32 : vector<512x64xf32>
    %broadcast_in_dim3A = vector.shape_cast %gt3A_17 : vector<512x1xi1> to vector<512x1xi1>
    %broadcast_in_dim3A_34 = vector.broadcast %broadcast_in_dim3A : vector<512x1xi1> to vector<512x64xi1>
    %select_n3A_35 = arith.select %broadcast_in_dim3A_34, %add3A_33, %get3A_12 : vector<512x64xi1>, vector<512x64xf32>
    %jit3A = arith.constant 0 : i32
    %convert_element_type3A = arith.sitofp %jit3A : i32 to f32
    %pad3A = vector.broadcast %convert_element_type3A : f32 to vector<512x64xf32>
    %pad3A_36 = tpu.concatenate %select_n3A_35, %pad3A in 1 : vector<512x64xf32>, vector<512x64xf32> -> vector<512x128xf32>
    %swap3A = arith.constant 0 : index
    %swap3A_37 = arith.constant 0 : index
    %swap3A_38 = vector.load %arg3[%swap3A, %swap3A_37] : memref<512x128xf32, #tpu.memory_space<vmem>>, vector<512x128xf32>
    tpu.vector_store %arg3[%swap3A, %swap3A_37], %pad3A_36 {strides = array<i32>} : memref<512x128xf32, #tpu.memory_space<vmem>>, vector<512x128xf32>,
    return
  }
}

module attributes {stable_mosaic.version = 14 : i64} {
  func.func @_decoder_body(%arg0: i32, %arg1: memref<2x256x128xf32, #tpu.memory_space<vmem>>, %arg2: memref<2x256x128xf32, #tpu.memory_space<vmem>>, %arg3: memref<3x64x256xf32, #tpu.memory_space<vmem>>, %arg4: memref<256xf32, #tpu.memory_space<vmem>>, %arg5: memref<256xf32, #tpu.memory_space<vmem>>, %arg6: memref<3x256x256xf32, #tpu.memory_space<vmem>>, %arg7: memref<256xf32, #tpu.memory_space<vmem>>, %arg8: memref<256xf32, #tpu.memory_space<vmem>>, %arg9: memref<3x256x256xf32, #tpu.memory_space<vmem>>, %arg10: memref<256xf32, #tpu.memory_space<vmem>>, %arg11: memref<256xf32, #tpu.memory_space<vmem>>, %arg12: memref<5x256x80xf32, #tpu.memory_space<vmem>>, %arg13: memref<80xf32, #tpu.memory_space<vmem>>, %arg14: memref<256x16xf32, #tpu.memory_space<vmem>>, %arg15: memref<2x80x1024xf32, #tpu.memory_space<vmem>>, %arg16: memref<1x1xf32, #tpu.memory_space<vmem>>) attributes {dimension_semantics = [#tpu.dimension_semantics<arbitrary>], iteration_bounds = array<i64: 8>, scalar_prefetch = 0 : i64, scratch_operands = 0 : i64, tpu.core_type = #tpu.core_type<tc>, window_params = [{transform_indices = @transform_0, window_bounds = array<i64: 2, 256, 128>}, {transform_indices = @transform_1, window_bounds = array<i64: 2, 256, 128>}, {pipeline_mode = #tpu.pipeline_mode<synchronous>, transform_indices = @transform_2, window_bounds = array<i64: 3, 64, 256>}, {pipeline_mode = #tpu.pipeline_mode<synchronous>, transform_indices = @transform_3, window_bounds = array<i64: 256>}, {pipeline_mode = #tpu.pipeline_mode<synchronous>, transform_indices = @transform_4, window_bounds = array<i64: 256>}, {pipeline_mode = #tpu.pipeline_mode<synchronous>, transform_indices = @transform_5, window_bounds = array<i64: 3, 256, 256>}, {pipeline_mode = #tpu.pipeline_mode<synchronous>, transform_indices = @transform_6, window_bounds = array<i64: 256>}, {pipeline_mode = #tpu.pipeline_mode<synchronous>, transform_indices = @transform_7, window_bounds = array<i64: 256>}, {pipeline_mode = #tpu.pipeline_mode<synchronous>, transform_indices = @transform_8, window_bounds = array<i64: 3, 256, 256>}, {pipeline_mode = #tpu.pipeline_mode<synchronous>, transform_indices = @transform_9, window_bounds = array<i64: 256>}, {pipeline_mode = #tpu.pipeline_mode<synchronous>, transform_indices = @transform_10, window_bounds = array<i64: 256>}, {pipeline_mode = #tpu.pipeline_mode<synchronous>, transform_indices = @transform_11, window_bounds = array<i64: 5, 256, 80>}, {pipeline_mode = #tpu.pipeline_mode<synchronous>, transform_indices = @transform_12, window_bounds = array<i64: 80>}, {pipeline_mode = #tpu.pipeline_mode<synchronous>, transform_indices = @transform_13, window_bounds = array<i64: 256, 16>}, {transform_indices = @transform_14, window_bounds = array<i64: 2, 80, 1024>}, {pipeline_mode = #tpu.pipeline_mode<synchronous>, transform_indices = @transform_15, window_bounds = array<i64: 1, 1>}]} {
    %get3A = arith.constant 0 : index
    %get3A_0 = arith.constant 0 : index
    %get3A_1 = vector.load %arg14[%get3A, %get3A_0] : memref<256x16xf32, #tpu.memory_space<vmem>>, vector<256x16xf32>
    %get3A_2 = arith.constant 0 : index
    %get3A_3 = vector.load %arg4[%get3A_2] : memref<256xf32, #tpu.memory_space<vmem>>, vector<256xf32>
    %get3A_4 = arith.constant 0 : index
    %get3A_5 = vector.load %arg5[%get3A_4] : memref<256xf32, #tpu.memory_space<vmem>>, vector<256xf32>
    %get3A_6 = arith.constant 0 : index
    %get3A_7 = vector.load %arg7[%get3A_6] : memref<256xf32, #tpu.memory_space<vmem>>, vector<256xf32>
    %get3A_8 = arith.constant 0 : index
    %get3A_9 = vector.load %arg8[%get3A_8] : memref<256xf32, #tpu.memory_space<vmem>>, vector<256xf32>
    %get3A_10 = arith.constant 0 : index
    %get3A_11 = vector.load %arg10[%get3A_10] : memref<256xf32, #tpu.memory_space<vmem>>, vector<256xf32>
    %get3A_12 = arith.constant 0 : index
    %get3A_13 = vector.load %arg11[%get3A_12] : memref<256xf32, #tpu.memory_space<vmem>>, vector<256xf32>
    %eq3A = arith.constant 0 : i32
    %eq3A_14 = arith.cmpi eq, %arg0, %eq3A : i32
    %convert_element_type3A = arith.extui %eq3A_14 : i1 to i32
    %cond3A = arith.constant 0 : i32
    %cond3A_15 = arith.cmpi ne, %convert_element_type3A, %cond3A : i32
    scf.if %cond3A_15 {
      %broadcast_in_dim3A_749 = arith.constant 0.000000e+00 : f32
      %broadcast_in_dim3A_750 = vector.broadcast %broadcast_in_dim3A_749 : f32 to vector<1x1xf32>
      %swap3A_751 = arith.constant 0 : index
      %swap3A_752 = arith.constant 0 : index
      %swap3A_753 = vector.load %arg16[%swap3A_751, %swap3A_752] : memref<1x1xf32, #tpu.memory_space<vmem>>, vector<1x1xf32>
      tpu.vector_store %arg16[%swap3A_751, %swap3A_752], %broadcast_in_dim3A_750 {strides = array<i32>} : memref<1x1xf32, #tpu.memory_space<vmem>>, vector<1x1xf32>,
    } else {
    }
    %get3A_16 = arith.constant 0 : index
    %get3A_17 = arith.constant 0 : index
    %get3A_18 = arith.constant 0 : index
    %get3A_19 = vector.load %arg1[%get3A_16, %get3A_17, %get3A_18] : memref<2x256x128xf32, #tpu.memory_space<vmem>>, vector<1x256x128xf32>
    %get3A_20 = vector.shape_cast %get3A_19 : vector<1x256x128xf32> to vector<256x128xf32>
    %slice3A = vector.extract_strided_slice %get3A_20 {offsets = [0, 0], sizes = [256, 64], strides = [1, 1]} : vector<256x128xf32> to vector<256x64xf32>
    %get3A_21 = arith.constant 0 : index
    %get3A_22 = arith.constant 0 : index
    %get3A_23 = arith.constant 0 : index
    %get3A_24 = vector.load %arg2[%get3A_21, %get3A_22, %get3A_23] : memref<2x256x128xf32, #tpu.memory_space<vmem>>, vector<1x256x128xf32>
    %get3A_25 = vector.shape_cast %get3A_24 : vector<1x256x128xf32> to vector<256x128xf32>
    %slice3A_26 = vector.extract_strided_slice %get3A_25 {offsets = [0, 0], sizes = [256, 64], strides = [1, 1]} : vector<256x128xf32> to vector<256x64xf32>
    %sub3A = arith.subf %slice3A, %slice3A_26 : vector<256x64xf32>
    %mul3A = arith.mulf %sub3A, %sub3A : vector<256x64xf32>
    %reduce_sum3A = vector.shape_cast %mul3A : vector<256x64xf32> to vector<1x256x64xf32>
    %reduce_sum3A_27 = arith.constant dense<0.000000e+00> : vector<1xf32>
    %reduce_sum3A_28 = vector.multi_reduction <add>, %reduce_sum3A, %reduce_sum3A_27 [1, 2] : vector<1x256x64xf32> to vector<1xf32>
    %reduce_sum3A_29 = vector.shape_cast %reduce_sum3A_28 : vector<1xf32> to vector<1x1x1xf32>
    %reduce_sum3A_30 = vector.extract %reduce_sum3A_29[0, 0, 0] : f32 from vector<1x1x1xf32>
    %add3A = arith.constant 0.000000e+00 : f32
    %add3A_31 = arith.addf %add3A, %reduce_sum3A_30 : f32
    %convert_element_type3A_32 = arith.truncf %slice3A_26 : vector<256x64xf32> to vector<256x64xbf16>
    %jit3A = arith.constant 0 : i32
    %convert_element_type3A_33 = arith.sitofp %jit3A : i32 to bf16
    %pad3A = vector.broadcast %convert_element_type3A_33 : bf16 to vector<1x64xbf16>
    %pad3A_34 = tpu.concatenate %pad3A, %convert_element_type3A_32 in 0 : vector<1x64xbf16>, vector<256x64xbf16> -> vector<257x64xbf16>
    %pad3A_35 = vector.broadcast %convert_element_type3A_33 : bf16 to vector<1x64xbf16>
    %pad3A_36 = tpu.concatenate %pad3A_34, %pad3A_35 in 0 : vector<257x64xbf16>, vector<1x64xbf16> -> vector<258x64xbf16>
    %slice3A_37 = vector.extract_strided_slice %pad3A_36 {offsets = [0, 0], sizes = [256, 64], strides = [1, 1]} : vector<258x64xbf16> to vector<256x64xbf16>
    %slice3A_38 = vector.extract_strided_slice %pad3A_36 {offsets = [1, 0], sizes = [256, 64], strides = [1, 1]} : vector<258x64xbf16> to vector<256x64xbf16>
    %slice3A_39 = vector.extract_strided_slice %pad3A_36 {offsets = [2, 0], sizes = [256, 64], strides = [1, 1]} : vector<258x64xbf16> to vector<256x64xbf16>
    %concatenate3A = tpu.concatenate %slice3A_37, %slice3A_38, %slice3A_39 in 1 : vector<256x64xbf16>, vector<256x64xbf16>, vector<256x64xbf16> -> vector<256x192xbf16>
    %get3A_40 = arith.constant 0 : index
    %get3A_41 = arith.constant 0 : index
    %get3A_42 = arith.constant 0 : index
    %get3A_43 = vector.load %arg3[%get3A_40, %get3A_41, %get3A_42] : memref<3x64x256xf32, #tpu.memory_space<vmem>>, vector<3x64x256xf32>
    %reshape3A = vector.shape_cast %get3A_43 : vector<3x64x256xf32> to vector<192x256xf32>
    %convert_element_type3A_44 = arith.truncf %reshape3A : vector<192x256xf32> to vector<192x256xbf16>
    %dot_general3A = arith.constant dense<0.000000e+00> : vector<256x256xf32>
    %dot_general3A_45 = tpu.matmul %concatenate3A, %convert_element_type3A_44, %dot_general3A {dimension_numbers = #tpu.dot_dimension_numbers<[1], [0], [0], [1], [0, 0, 1, 1], [], []>, transpose_lhs_hint = false} : vector<256x192xbf16>, vector<192x256xbf16>, vector<256x256xf32> -> vector<256x256xf32>
    %transpose3A = tpu.transpose %dot_general3A_45, [1, 0] : vector<256x256xf32> -> vector<256x256xf32>
    %reshape3A_46 = vector.shape_cast %transpose3A : vector<256x256xf32> to vector<16x16x256xf32>
    %reduce_sum3A_47 = arith.constant dense<0.000000e+00> : vector<16xf32>
    %reduce_sum3A_48 = vector.multi_reduction <add>, %reshape3A_46, %reduce_sum3A_47 [1, 2] : vector<16x16x256xf32> to vector<16xf32>
    %broadcast_in_dim3A = vector.shape_cast %reduce_sum3A_48 : vector<16xf32> to vector<16x1x1xf32>
    %div3A = arith.constant 4.096000e+03 : f32
    %div3A_49 = vector.broadcast %div3A : f32 to vector<16x1x1xf32>
    %div3A_50 = arith.divf %broadcast_in_dim3A, %div3A_49 : vector<16x1x1xf32>
    %sub3A_51 = vector.broadcast %div3A_50 : vector<16x1x1xf32> to vector<16x16x256xf32>
    %sub3A_52 = arith.subf %reshape3A_46, %sub3A_51 : vector<16x16x256xf32>
    %integer_pow3A = arith.mulf %sub3A_52, %sub3A_52 : vector<16x16x256xf32>
    %reduce_sum3A_53 = arith.constant dense<0.000000e+00> : vector<16xf32>
    %reduce_sum3A_54 = vector.multi_reduction <add>, %integer_pow3A, %reduce_sum3A_53 [1, 2] : vector<16x16x256xf32> to vector<16xf32>
    %broadcast_in_dim3A_55 = vector.shape_cast %reduce_sum3A_54 : vector<16xf32> to vector<16x1x1xf32>
    %div3A_56 = arith.constant 4.096000e+03 : f32
    %div3A_57 = vector.broadcast %div3A_56 : f32 to vector<16x1x1xf32>
    %div3A_58 = arith.divf %broadcast_in_dim3A_55, %div3A_57 : vector<16x1x1xf32>
    %reshape3A_59 = vector.shape_cast %div3A_50 : vector<16x1x1xf32> to vector<16x1xf32>
    %transpose3A_60 = tpu.transpose %reshape3A_59, [1, 0] : vector<16x1xf32> -> vector<1x16xf32>
    %reshape3A_61 = vector.shape_cast %div3A_58 : vector<16x1x1xf32> to vector<16x1xf32>
    %transpose3A_62 = tpu.transpose %reshape3A_61, [1, 0] : vector<16x1xf32> -> vector<1x16xf32>
    %dot_general3A_63 = arith.constant dense<0.000000e+00> : vector<1x256xf32>
    %dot_general3A_64 = tpu.matmul %transpose3A_60, %get3A_1, %dot_general3A_63 {dimension_numbers = #tpu.dot_dimension_numbers<[1], [1], [0], [0], [0, 0, 1, 0], [], []>, precision = #tpu.contract_precision<fp32>, transpose_lhs_hint = false} : vector<1x16xf32>, vector<256x16xf32>, vector<1x256xf32> -> vector<1x256xf32>
    %dot_general3A_65 = arith.constant dense<0.000000e+00> : vector<1x256xf32>
    %dot_general3A_66 = tpu.matmul %transpose3A_62, %get3A_1, %dot_general3A_65 {dimension_numbers = #tpu.dot_dimension_numbers<[1], [1], [0], [0], [0, 0, 1, 0], [], []>, precision = #tpu.contract_precision<fp32>, transpose_lhs_hint = false} : vector<1x16xf32>, vector<256x16xf32>, vector<1x256xf32> -> vector<1x256xf32>
    %sub3A_67 = vector.broadcast %dot_general3A_64 : vector<1x256xf32> to vector<256x256xf32>
    %sub3A_68 = arith.subf %dot_general3A_45, %sub3A_67 : vector<256x256xf32>
    %add3A_69 = arith.constant 9.99999974E-6 : f32
    %add3A_70 = vector.broadcast %add3A_69 : f32 to vector<1x256xf32>
    %add3A_71 = arith.addf %dot_general3A_66, %add3A_70 : vector<1x256xf32>
    %sqrt3A = math.sqrt %add3A_71 : vector<1x256xf32>
    %div3A_72 = vector.broadcast %sqrt3A : vector<1x256xf32> to vector<256x256xf32>
    %div3A_73 = arith.divf %sub3A_68, %div3A_72 : vector<256x256xf32>
    %broadcast_in_dim3A_74 = vector.shape_cast %get3A_3 : vector<256xf32> to vector<1x256xf32>
    %mul3A_75 = vector.broadcast %broadcast_in_dim3A_74 : vector<1x256xf32> to vector<256x256xf32>
    %mul3A_76 = arith.mulf %div3A_73, %mul3A_75 : vector<256x256xf32>
    %broadcast_in_dim3A_77 = vector.shape_cast %get3A_5 : vector<256xf32> to vector<1x256xf32>
    %add3A_78 = vector.broadcast %broadcast_in_dim3A_77 : vector<1x256xf32> to vector<256x256xf32>
    %add3A_79 = arith.addf %mul3A_76, %add3A_78 : vector<256x256xf32>
    %max3A = arith.constant 0.000000e+00 : f32
    %max3A_80 = vector.broadcast %max3A : f32 to vector<256x256xf32>
    %max3A_81 = arith.maximumf %add3A_79, %max3A_80 : vector<256x256xf32>
    %broadcast_in_dim3A_82 = vector.shape_cast %max3A_81 : vector<256x256xf32> to vector<256x1x256xf32>
    %broadcast_in_dim3A_83 = vector.shape_cast %broadcast_in_dim3A_82 : vector<256x1x256xf32> to vector<256x1x256xf32>
    %broadcast_in_dim3A_84 = vector.broadcast %broadcast_in_dim3A_83 : vector<256x1x256xf32> to vector<256x2x256xf32>
    %reshape3A_85 = vector.shape_cast %broadcast_in_dim3A_84 : vector<256x2x256xf32> to vector<512x256xf32>
    %convert_element_type3A_86 = arith.truncf %reshape3A_85 : vector<512x256xf32> to vector<512x256xbf16>
    %jit3A_87 = arith.constant 0 : i32
    %convert_element_type3A_88 = arith.sitofp %jit3A_87 : i32 to bf16
    %pad3A_89 = vector.broadcast %convert_element_type3A_88 : bf16 to vector<1x256xbf16>
    %pad3A_90 = tpu.concatenate %pad3A_89, %convert_element_type3A_86 in 0 : vector<1x256xbf16>, vector<512x256xbf16> -> vector<513x256xbf16>
    %pad3A_91 = vector.broadcast %convert_element_type3A_88 : bf16 to vector<1x256xbf16>
    %pad3A_92 = tpu.concatenate %pad3A_90, %pad3A_91 in 0 : vector<513x256xbf16>, vector<1x256xbf16> -> vector<514x256xbf16>
    %slice3A_93 = vector.extract_strided_slice %pad3A_92 {offsets = [0, 0], sizes = [512, 256], strides = [1, 1]} : vector<514x256xbf16> to vector<512x256xbf16>
    %slice3A_94 = vector.extract_strided_slice %pad3A_92 {offsets = [1, 0], sizes = [512, 256], strides = [1, 1]} : vector<514x256xbf16> to vector<512x256xbf16>
    %slice3A_95 = vector.extract_strided_slice %pad3A_92 {offsets = [2, 0], sizes = [512, 256], strides = [1, 1]} : vector<514x256xbf16> to vector<512x256xbf16>
    %concatenate3A_96 = tpu.concatenate %slice3A_93, %slice3A_94, %slice3A_95 in 1 : vector<512x256xbf16>, vector<512x256xbf16>, vector<512x256xbf16> -> vector<512x768xbf16>
    %get3A_97 = arith.constant 0 : index
    %get3A_98 = arith.constant 0 : index
    %get3A_99 = arith.constant 0 : index
    %get3A_100 = vector.load %arg6[%get3A_97, %get3A_98, %get3A_99] : memref<3x256x256xf32, #tpu.memory_space<vmem>>, vector<3x256x256xf32>
    %reshape3A_101 = vector.shape_cast %get3A_100 : vector<3x256x256xf32> to vector<768x256xf32>
    %convert_element_type3A_102 = arith.truncf %reshape3A_101 : vector<768x256xf32> to vector<768x256xbf16>
    %dot_general3A_103 = arith.constant dense<0.000000e+00> : vector<512x256xf32>
    %dot_general3A_104 = tpu.matmul %concatenate3A_96, %convert_element_type3A_102, %dot_general3A_103 {dimension_numbers = #tpu.dot_dimension_numbers<[1], [0], [0], [1], [0, 0, 1, 1], [], []>, transpose_lhs_hint = false} : vector<512x768xbf16>, vector<768x256xbf16>, vector<512x256xf32> -> vector<512x256xf32>
    %transpose3A_105 = tpu.transpose %dot_general3A_104, [1, 0] : vector<512x256xf32> -> vector<256x512xf32>
    %reshape3A_106 = vector.shape_cast %transpose3A_105 : vector<256x512xf32> to vector<16x16x512xf32>
    %reduce_sum3A_107 = arith.constant dense<0.000000e+00> : vector<16xf32>
    %reduce_sum3A_108 = vector.multi_reduction <add>, %reshape3A_106, %reduce_sum3A_107 [1, 2] : vector<16x16x512xf32> to vector<16xf32>
    %broadcast_in_dim3A_109 = vector.shape_cast %reduce_sum3A_108 : vector<16xf32> to vector<16x1x1xf32>
    %div3A_110 = arith.constant 8.192000e+03 : f32
    %div3A_111 = vector.broadcast %div3A_110 : f32 to vector<16x1x1xf32>
    %div3A_112 = arith.divf %broadcast_in_dim3A_109, %div3A_111 : vector<16x1x1xf32>
    %sub3A_113 = vector.broadcast %div3A_112 : vector<16x1x1xf32> to vector<16x16x512xf32>
    %sub3A_114 = arith.subf %reshape3A_106, %sub3A_113 : vector<16x16x512xf32>
    %integer_pow3A_115 = arith.mulf %sub3A_114, %sub3A_114 : vector<16x16x512xf32>
    %reduce_sum3A_116 = arith.constant dense<0.000000e+00> : vector<16xf32>
    %reduce_sum3A_117 = vector.multi_reduction <add>, %integer_pow3A_115, %reduce_sum3A_116 [1, 2] : vector<16x16x512xf32> to vector<16xf32>
    %broadcast_in_dim3A_118 = vector.shape_cast %reduce_sum3A_117 : vector<16xf32> to vector<16x1x1xf32>
    %div3A_119 = arith.constant 8.192000e+03 : f32
    %div3A_120 = vector.broadcast %div3A_119 : f32 to vector<16x1x1xf32>
    %div3A_121 = arith.divf %broadcast_in_dim3A_118, %div3A_120 : vector<16x1x1xf32>
    %reshape3A_122 = vector.shape_cast %div3A_112 : vector<16x1x1xf32> to vector<16x1xf32>
    %transpose3A_123 = tpu.transpose %reshape3A_122, [1, 0] : vector<16x1xf32> -> vector<1x16xf32>
    %reshape3A_124 = vector.shape_cast %div3A_121 : vector<16x1x1xf32> to vector<16x1xf32>
    %transpose3A_125 = tpu.transpose %reshape3A_124, [1, 0] : vector<16x1xf32> -> vector<1x16xf32>
    %dot_general3A_126 = arith.constant dense<0.000000e+00> : vector<1x256xf32>
    %dot_general3A_127 = tpu.matmul %transpose3A_123, %get3A_1, %dot_general3A_126 {dimension_numbers = #tpu.dot_dimension_numbers<[1], [1], [0], [0], [0, 0, 1, 0], [], []>, precision = #tpu.contract_precision<fp32>, transpose_lhs_hint = false} : vector<1x16xf32>, vector<256x16xf32>, vector<1x256xf32> -> vector<1x256xf32>
    %dot_general3A_128 = arith.constant dense<0.000000e+00> : vector<1x256xf32>
    %dot_general3A_129 = tpu.matmul %transpose3A_125, %get3A_1, %dot_general3A_128 {dimension_numbers = #tpu.dot_dimension_numbers<[1], [1], [0], [0], [0, 0, 1, 0], [], []>, precision = #tpu.contract_precision<fp32>, transpose_lhs_hint = false} : vector<1x16xf32>, vector<256x16xf32>, vector<1x256xf32> -> vector<1x256xf32>
    %sub3A_130 = vector.broadcast %dot_general3A_127 : vector<1x256xf32> to vector<512x256xf32>
    %sub3A_131 = arith.subf %dot_general3A_104, %sub3A_130 : vector<512x256xf32>
    %add3A_132 = arith.constant 9.99999974E-6 : f32
    %add3A_133 = vector.broadcast %add3A_132 : f32 to vector<1x256xf32>
    %add3A_134 = arith.addf %dot_general3A_129, %add3A_133 : vector<1x256xf32>
    %sqrt3A_135 = math.sqrt %add3A_134 : vector<1x256xf32>
    %div3A_136 = vector.broadcast %sqrt3A_135 : vector<1x256xf32> to vector<512x256xf32>
    %div3A_137 = arith.divf %sub3A_131, %div3A_136 : vector<512x256xf32>
    %broadcast_in_dim3A_138 = vector.shape_cast %get3A_7 : vector<256xf32> to vector<1x256xf32>
    %mul3A_139 = vector.broadcast %broadcast_in_dim3A_138 : vector<1x256xf32> to vector<512x256xf32>
    %mul3A_140 = arith.mulf %div3A_137, %mul3A_139 : vector<512x256xf32>
    %broadcast_in_dim3A_141 = vector.shape_cast %get3A_9 : vector<256xf32> to vector<1x256xf32>
    %add3A_142 = vector.broadcast %broadcast_in_dim3A_141 : vector<1x256xf32> to vector<512x256xf32>
    %add3A_143 = arith.addf %mul3A_140, %add3A_142 : vector<512x256xf32>
    %max3A_144 = arith.constant 0.000000e+00 : f32
    %max3A_145 = vector.broadcast %max3A_144 : f32 to vector<512x256xf32>
    %max3A_146 = arith.maximumf %add3A_143, %max3A_145 : vector<512x256xf32>
    %convert_element_type3A_147 = arith.truncf %max3A_146 : vector<512x256xf32> to vector<512x256xbf16>
    %jit3A_148 = arith.constant 0 : i32
    %convert_element_type3A_149 = arith.sitofp %jit3A_148 : i32 to bf16
    %pad3A_150 = vector.broadcast %convert_element_type3A_149 : bf16 to vector<1x256xbf16>
    %pad3A_151 = tpu.concatenate %pad3A_150, %convert_element_type3A_147 in 0 : vector<1x256xbf16>, vector<512x256xbf16> -> vector<513x256xbf16>
    %pad3A_152 = vector.broadcast %convert_element_type3A_149 : bf16 to vector<1x256xbf16>
    %pad3A_153 = tpu.concatenate %pad3A_151, %pad3A_152 in 0 : vector<513x256xbf16>, vector<1x256xbf16> -> vector<514x256xbf16>
    %slice3A_154 = vector.extract_strided_slice %pad3A_153 {offsets = [0, 0], sizes = [512, 256], strides = [1, 1]} : vector<514x256xbf16> to vector<512x256xbf16>
    %slice3A_155 = vector.extract_strided_slice %pad3A_153 {offsets = [1, 0], sizes = [512, 256], strides = [1, 1]} : vector<514x256xbf16> to vector<512x256xbf16>
    %slice3A_156 = vector.extract_strided_slice %pad3A_153 {offsets = [2, 0], sizes = [512, 256], strides = [1, 1]} : vector<514x256xbf16> to vector<512x256xbf16>
    %concatenate3A_157 = tpu.concatenate %slice3A_154, %slice3A_155, %slice3A_156 in 1 : vector<512x256xbf16>, vector<512x256xbf16>, vector<512x256xbf16> -> vector<512x768xbf16>
    %get3A_158 = arith.constant 0 : index
    %get3A_159 = arith.constant 0 : index
    %get3A_160 = arith.constant 0 : index
    %get3A_161 = vector.load %arg9[%get3A_158, %get3A_159, %get3A_160] : memref<3x256x256xf32, #tpu.memory_space<vmem>>, vector<3x256x256xf32>
    %reshape3A_162 = vector.shape_cast %get3A_161 : vector<3x256x256xf32> to vector<768x256xf32>
    %convert_element_type3A_163 = arith.truncf %reshape3A_162 : vector<768x256xf32> to vector<768x256xbf16>
    %dot_general3A_164 = arith.constant dense<0.000000e+00> : vector<512x256xf32>
    %dot_general3A_165 = tpu.matmul %concatenate3A_157, %convert_element_type3A_163, %dot_general3A_164 {dimension_numbers = #tpu.dot_dimension_numbers<[1], [0], [0], [1], [0, 0, 1, 1], [], []>, transpose_lhs_hint = false} : vector<512x768xbf16>, vector<768x256xbf16>, vector<512x256xf32> -> vector<512x256xf32>
    %transpose3A_166 = tpu.transpose %dot_general3A_165, [1, 0] : vector<512x256xf32> -> vector<256x512xf32>
    %reshape3A_167 = vector.shape_cast %transpose3A_166 : vector<256x512xf32> to vector<16x16x512xf32>
    %reduce_sum3A_168 = arith.constant dense<0.000000e+00> : vector<16xf32>
    %reduce_sum3A_169 = vector.multi_reduction <add>, %reshape3A_167, %reduce_sum3A_168 [1, 2] : vector<16x16x512xf32> to vector<16xf32>
    %broadcast_in_dim3A_170 = vector.shape_cast %reduce_sum3A_169 : vector<16xf32> to vector<16x1x1xf32>
    %div3A_171 = arith.constant 8.192000e+03 : f32
    %div3A_172 = vector.broadcast %div3A_171 : f32 to vector<16x1x1xf32>
    %div3A_173 = arith.divf %broadcast_in_dim3A_170, %div3A_172 : vector<16x1x1xf32>
    %sub3A_174 = vector.broadcast %div3A_173 : vector<16x1x1xf32> to vector<16x16x512xf32>
    %sub3A_175 = arith.subf %reshape3A_167, %sub3A_174 : vector<16x16x512xf32>
    %integer_pow3A_176 = arith.mulf %sub3A_175, %sub3A_175 : vector<16x16x512xf32>
    %reduce_sum3A_177 = arith.constant dense<0.000000e+00> : vector<16xf32>
    %reduce_sum3A_178 = vector.multi_reduction <add>, %integer_pow3A_176, %reduce_sum3A_177 [1, 2] : vector<16x16x512xf32> to vector<16xf32>
    %broadcast_in_dim3A_179 = vector.shape_cast %reduce_sum3A_178 : vector<16xf32> to vector<16x1x1xf32>
    %div3A_180 = arith.constant 8.192000e+03 : f32
    %div3A_181 = vector.broadcast %div3A_180 : f32 to vector<16x1x1xf32>
    %div3A_182 = arith.divf %broadcast_in_dim3A_179, %div3A_181 : vector<16x1x1xf32>
    %reshape3A_183 = vector.shape_cast %div3A_173 : vector<16x1x1xf32> to vector<16x1xf32>
    %transpose3A_184 = tpu.transpose %reshape3A_183, [1, 0] : vector<16x1xf32> -> vector<1x16xf32>
    %reshape3A_185 = vector.shape_cast %div3A_182 : vector<16x1x1xf32> to vector<16x1xf32>
    %transpose3A_186 = tpu.transpose %reshape3A_185, [1, 0] : vector<16x1xf32> -> vector<1x16xf32>
    %dot_general3A_187 = arith.constant dense<0.000000e+00> : vector<1x256xf32>
    %dot_general3A_188 = tpu.matmul %transpose3A_184, %get3A_1, %dot_general3A_187 {dimension_numbers = #tpu.dot_dimension_numbers<[1], [1], [0], [0], [0, 0, 1, 0], [], []>, precision = #tpu.contract_precision<fp32>, transpose_lhs_hint = false} : vector<1x16xf32>, vector<256x16xf32>, vector<1x256xf32> -> vector<1x256xf32>
    %dot_general3A_189 = arith.constant dense<0.000000e+00> : vector<1x256xf32>
    %dot_general3A_190 = tpu.matmul %transpose3A_186, %get3A_1, %dot_general3A_189 {dimension_numbers = #tpu.dot_dimension_numbers<[1], [1], [0], [0], [0, 0, 1, 0], [], []>, precision = #tpu.contract_precision<fp32>, transpose_lhs_hint = false} : vector<1x16xf32>, vector<256x16xf32>, vector<1x256xf32> -> vector<1x256xf32>
    %sub3A_191 = vector.broadcast %dot_general3A_188 : vector<1x256xf32> to vector<512x256xf32>
    %sub3A_192 = arith.subf %dot_general3A_165, %sub3A_191 : vector<512x256xf32>
    %add3A_193 = arith.constant 9.99999974E-6 : f32
    %add3A_194 = vector.broadcast %add3A_193 : f32 to vector<1x256xf32>
    %add3A_195 = arith.addf %dot_general3A_190, %add3A_194 : vector<1x256xf32>
    %sqrt3A_196 = math.sqrt %add3A_195 : vector<1x256xf32>
    %div3A_197 = vector.broadcast %sqrt3A_196 : vector<1x256xf32> to vector<512x256xf32>
    %div3A_198 = arith.divf %sub3A_192, %div3A_197 : vector<512x256xf32>
    %broadcast_in_dim3A_199 = vector.shape_cast %get3A_11 : vector<256xf32> to vector<1x256xf32>
    %mul3A_200 = vector.broadcast %broadcast_in_dim3A_199 : vector<1x256xf32> to vector<512x256xf32>
    %mul3A_201 = arith.mulf %div3A_198, %mul3A_200 : vector<512x256xf32>
    %broadcast_in_dim3A_202 = vector.shape_cast %get3A_13 : vector<256xf32> to vector<1x256xf32>
    %add3A_203 = vector.broadcast %broadcast_in_dim3A_202 : vector<1x256xf32> to vector<512x256xf32>
    %add3A_204 = arith.addf %mul3A_201, %add3A_203 : vector<512x256xf32>
    %add3A_205 = arith.addf %reshape3A_85, %add3A_204 : vector<512x256xf32>
    %max3A_206 = arith.constant 0.000000e+00 : f32
    %max3A_207 = vector.broadcast %max3A_206 : f32 to vector<512x256xf32>
    %max3A_208 = arith.maximumf %add3A_205, %max3A_207 : vector<512x256xf32>
    %broadcast_in_dim3A_209 = vector.shape_cast %max3A_208 : vector<512x256xf32> to vector<512x1x256xf32>
    %broadcast_in_dim3A_210 = vector.shape_cast %broadcast_in_dim3A_209 : vector<512x1x256xf32> to vector<512x1x256xf32>
    %broadcast_in_dim3A_211 = vector.broadcast %broadcast_in_dim3A_210 : vector<512x1x256xf32> to vector<512x2x256xf32>
    %reshape3A_212 = vector.shape_cast %broadcast_in_dim3A_211 : vector<512x2x256xf32> to vector<1024x256xf32>
    %convert_element_type3A_213 = arith.truncf %reshape3A_212 : vector<1024x256xf32> to vector<1024x256xbf16>
    %jit3A_214 = arith.constant 0 : i32
    %convert_element_type3A_215 = arith.sitofp %jit3A_214 : i32 to bf16
    %pad3A_216 = vector.broadcast %convert_element_type3A_215 : bf16 to vector<1x256xbf16>
    %pad3A_217 = tpu.concatenate %pad3A_216, %convert_element_type3A_213 in 0 : vector<1x256xbf16>, vector<1024x256xbf16> -> vector<1025x256xbf16>
    %pad3A_218 = vector.broadcast %convert_element_type3A_215 : bf16 to vector<1x256xbf16>
    %pad3A_219 = tpu.concatenate %pad3A_217, %pad3A_218 in 0 : vector<1025x256xbf16>, vector<1x256xbf16> -> vector<1026x256xbf16>
    %slice3A_220 = vector.extract_strided_slice %pad3A_219 {offsets = [0, 0], sizes = [1024, 256], strides = [1, 1]} : vector<1026x256xbf16> to vector<1024x256xbf16>
    %slice3A_221 = vector.extract_strided_slice %pad3A_219 {offsets = [1, 0], sizes = [1024, 256], strides = [1, 1]} : vector<1026x256xbf16> to vector<1024x256xbf16>
    %slice3A_222 = vector.extract_strided_slice %pad3A_219 {offsets = [2, 0], sizes = [1024, 256], strides = [1, 1]} : vector<1026x256xbf16> to vector<1024x256xbf16>
    %concatenate3A_223 = tpu.concatenate %slice3A_220, %slice3A_221, %slice3A_222 in 1 : vector<1024x256xbf16>, vector<1024x256xbf16>, vector<1024x256xbf16> -> vector<1024x768xbf16>
    %get3A_224 = arith.constant 0 : index
    %get3A_225 = arith.constant 0 : index
    %get3A_226 = arith.constant 0 : index
    %get3A_227 = vector.load %arg6[%get3A_224, %get3A_225, %get3A_226] : memref<3x256x256xf32, #tpu.memory_space<vmem>>, vector<3x256x256xf32>
    %reshape3A_228 = vector.shape_cast %get3A_227 : vector<3x256x256xf32> to vector<768x256xf32>
    %convert_element_type3A_229 = arith.truncf %reshape3A_228 : vector<768x256xf32> to vector<768x256xbf16>
    %dot_general3A_230 = arith.constant dense<0.000000e+00> : vector<1024x256xf32>
    %dot_general3A_231 = tpu.matmul %concatenate3A_223, %convert_element_type3A_229, %dot_general3A_230 {dimension_numbers = #tpu.dot_dimension_numbers<[1], [0], [0], [1], [0, 0, 1, 1], [], []>, transpose_lhs_hint = false} : vector<1024x768xbf16>, vector<768x256xbf16>, vector<1024x256xf32> -> vector<1024x256xf32>
    %transpose3A_232 = tpu.transpose %dot_general3A_231, [1, 0] : vector<1024x256xf32> -> vector<256x1024xf32>
    %reshape3A_233 = vector.shape_cast %transpose3A_232 : vector<256x1024xf32> to vector<16x16x1024xf32>
    %reduce_sum3A_234 = arith.constant dense<0.000000e+00> : vector<16xf32>
    %reduce_sum3A_235 = vector.multi_reduction <add>, %reshape3A_233, %reduce_sum3A_234 [1, 2] : vector<16x16x1024xf32> to vector<16xf32>
    %broadcast_in_dim3A_236 = vector.shape_cast %reduce_sum3A_235 : vector<16xf32> to vector<16x1x1xf32>
    %div3A_237 = arith.constant 1.638400e+04 : f32
    %div3A_238 = vector.broadcast %div3A_237 : f32 to vector<16x1x1xf32>
    %div3A_239 = arith.divf %broadcast_in_dim3A_236, %div3A_238 : vector<16x1x1xf32>
    %sub3A_240 = vector.broadcast %div3A_239 : vector<16x1x1xf32> to vector<16x16x1024xf32>
    %sub3A_241 = arith.subf %reshape3A_233, %sub3A_240 : vector<16x16x1024xf32>
    %integer_pow3A_242 = arith.mulf %sub3A_241, %sub3A_241 : vector<16x16x1024xf32>
    %reduce_sum3A_243 = arith.constant dense<0.000000e+00> : vector<16xf32>
    %reduce_sum3A_244 = vector.multi_reduction <add>, %integer_pow3A_242, %reduce_sum3A_243 [1, 2] : vector<16x16x1024xf32> to vector<16xf32>
    %broadcast_in_dim3A_245 = vector.shape_cast %reduce_sum3A_244 : vector<16xf32> to vector<16x1x1xf32>
    %div3A_246 = arith.constant 1.638400e+04 : f32
    %div3A_247 = vector.broadcast %div3A_246 : f32 to vector<16x1x1xf32>
    %div3A_248 = arith.divf %broadcast_in_dim3A_245, %div3A_247 : vector<16x1x1xf32>
    %reshape3A_249 = vector.shape_cast %div3A_239 : vector<16x1x1xf32> to vector<16x1xf32>
    %transpose3A_250 = tpu.transpose %reshape3A_249, [1, 0] : vector<16x1xf32> -> vector<1x16xf32>
    %reshape3A_251 = vector.shape_cast %div3A_248 : vector<16x1x1xf32> to vector<16x1xf32>
    %transpose3A_252 = tpu.transpose %reshape3A_251, [1, 0] : vector<16x1xf32> -> vector<1x16xf32>
    %dot_general3A_253 = arith.constant dense<0.000000e+00> : vector<1x256xf32>
    %dot_general3A_254 = tpu.matmul %transpose3A_250, %get3A_1, %dot_general3A_253 {dimension_numbers = #tpu.dot_dimension_numbers<[1], [1], [0], [0], [0, 0, 1, 0], [], []>, precision = #tpu.contract_precision<fp32>, transpose_lhs_hint = false} : vector<1x16xf32>, vector<256x16xf32>, vector<1x256xf32> -> vector<1x256xf32>
    %dot_general3A_255 = arith.constant dense<0.000000e+00> : vector<1x256xf32>
    %dot_general3A_256 = tpu.matmul %transpose3A_252, %get3A_1, %dot_general3A_255 {dimension_numbers = #tpu.dot_dimension_numbers<[1], [1], [0], [0], [0, 0, 1, 0], [], []>, precision = #tpu.contract_precision<fp32>, transpose_lhs_hint = false} : vector<1x16xf32>, vector<256x16xf32>, vector<1x256xf32> -> vector<1x256xf32>
    %sub3A_257 = vector.broadcast %dot_general3A_254 : vector<1x256xf32> to vector<1024x256xf32>
    %sub3A_258 = arith.subf %dot_general3A_231, %sub3A_257 : vector<1024x256xf32>
    %add3A_259 = arith.constant 9.99999974E-6 : f32
    %add3A_260 = vector.broadcast %add3A_259 : f32 to vector<1x256xf32>
    %add3A_261 = arith.addf %dot_general3A_256, %add3A_260 : vector<1x256xf32>
    %sqrt3A_262 = math.sqrt %add3A_261 : vector<1x256xf32>
    %div3A_263 = vector.broadcast %sqrt3A_262 : vector<1x256xf32> to vector<1024x256xf32>
    %div3A_264 = arith.divf %sub3A_258, %div3A_263 : vector<1024x256xf32>
    %broadcast_in_dim3A_265 = vector.shape_cast %get3A_7 : vector<256xf32> to vector<1x256xf32>
    %mul3A_266 = vector.broadcast %broadcast_in_dim3A_265 : vector<1x256xf32> to vector<1024x256xf32>
    %mul3A_267 = arith.mulf %div3A_264, %mul3A_266 : vector<1024x256xf32>
    %broadcast_in_dim3A_268 = vector.shape_cast %get3A_9 : vector<256xf32> to vector<1x256xf32>
    %add3A_269 = vector.broadcast %broadcast_in_dim3A_268 : vector<1x256xf32> to vector<1024x256xf32>
    %add3A_270 = arith.addf %mul3A_267, %add3A_269 : vector<1024x256xf32>
    %max3A_271 = arith.constant 0.000000e+00 : f32
    %max3A_272 = vector.broadcast %max3A_271 : f32 to vector<1024x256xf32>
    %max3A_273 = arith.maximumf %add3A_270, %max3A_272 : vector<1024x256xf32>
    %convert_element_type3A_274 = arith.truncf %max3A_273 : vector<1024x256xf32> to vector<1024x256xbf16>
    %jit3A_275 = arith.constant 0 : i32
    %convert_element_type3A_276 = arith.sitofp %jit3A_275 : i32 to bf16
    %pad3A_277 = vector.broadcast %convert_element_type3A_276 : bf16 to vector<1x256xbf16>
    %pad3A_278 = tpu.concatenate %pad3A_277, %convert_element_type3A_274 in 0 : vector<1x256xbf16>, vector<1024x256xbf16> -> vector<1025x256xbf16>
    %pad3A_279 = vector.broadcast %convert_element_type3A_276 : bf16 to vector<1x256xbf16>
    %pad3A_280 = tpu.concatenate %pad3A_278, %pad3A_279 in 0 : vector<1025x256xbf16>, vector<1x256xbf16> -> vector<1026x256xbf16>
    %slice3A_281 = vector.extract_strided_slice %pad3A_280 {offsets = [0, 0], sizes = [1024, 256], strides = [1, 1]} : vector<1026x256xbf16> to vector<1024x256xbf16>
    %slice3A_282 = vector.extract_strided_slice %pad3A_280 {offsets = [1, 0], sizes = [1024, 256], strides = [1, 1]} : vector<1026x256xbf16> to vector<1024x256xbf16>
    %slice3A_283 = vector.extract_strided_slice %pad3A_280 {offsets = [2, 0], sizes = [1024, 256], strides = [1, 1]} : vector<1026x256xbf16> to vector<1024x256xbf16>
    %concatenate3A_284 = tpu.concatenate %slice3A_281, %slice3A_282, %slice3A_283 in 1 : vector<1024x256xbf16>, vector<1024x256xbf16>, vector<1024x256xbf16> -> vector<1024x768xbf16>
    %get3A_285 = arith.constant 0 : index
    %get3A_286 = arith.constant 0 : index
    %get3A_287 = arith.constant 0 : index
    %get3A_288 = vector.load %arg9[%get3A_285, %get3A_286, %get3A_287] : memref<3x256x256xf32, #tpu.memory_space<vmem>>, vector<3x256x256xf32>
    %reshape3A_289 = vector.shape_cast %get3A_288 : vector<3x256x256xf32> to vector<768x256xf32>
    %convert_element_type3A_290 = arith.truncf %reshape3A_289 : vector<768x256xf32> to vector<768x256xbf16>
    %dot_general3A_291 = arith.constant dense<0.000000e+00> : vector<1024x256xf32>
    %dot_general3A_292 = tpu.matmul %concatenate3A_284, %convert_element_type3A_290, %dot_general3A_291 {dimension_numbers = #tpu.dot_dimension_numbers<[1], [0], [0], [1], [0, 0, 1, 1], [], []>, transpose_lhs_hint = false} : vector<1024x768xbf16>, vector<768x256xbf16>, vector<1024x256xf32> -> vector<1024x256xf32>
    %transpose3A_293 = tpu.transpose %dot_general3A_292, [1, 0] : vector<1024x256xf32> -> vector<256x1024xf32>
    %reshape3A_294 = vector.shape_cast %transpose3A_293 : vector<256x1024xf32> to vector<16x16x1024xf32>
    %reduce_sum3A_295 = arith.constant dense<0.000000e+00> : vector<16xf32>
    %reduce_sum3A_296 = vector.multi_reduction <add>, %reshape3A_294, %reduce_sum3A_295 [1, 2] : vector<16x16x1024xf32> to vector<16xf32>
    %broadcast_in_dim3A_297 = vector.shape_cast %reduce_sum3A_296 : vector<16xf32> to vector<16x1x1xf32>
    %div3A_298 = arith.constant 1.638400e+04 : f32
    %div3A_299 = vector.broadcast %div3A_298 : f32 to vector<16x1x1xf32>
    %div3A_300 = arith.divf %broadcast_in_dim3A_297, %div3A_299 : vector<16x1x1xf32>
    %sub3A_301 = vector.broadcast %div3A_300 : vector<16x1x1xf32> to vector<16x16x1024xf32>
    %sub3A_302 = arith.subf %reshape3A_294, %sub3A_301 : vector<16x16x1024xf32>
    %integer_pow3A_303 = arith.mulf %sub3A_302, %sub3A_302 : vector<16x16x1024xf32>
    %reduce_sum3A_304 = arith.constant dense<0.000000e+00> : vector<16xf32>
    %reduce_sum3A_305 = vector.multi_reduction <add>, %integer_pow3A_303, %reduce_sum3A_304 [1, 2] : vector<16x16x1024xf32> to vector<16xf32>
    %broadcast_in_dim3A_306 = vector.shape_cast %reduce_sum3A_305 : vector<16xf32> to vector<16x1x1xf32>
    %div3A_307 = arith.constant 1.638400e+04 : f32
    %div3A_308 = vector.broadcast %div3A_307 : f32 to vector<16x1x1xf32>
    %div3A_309 = arith.divf %broadcast_in_dim3A_306, %div3A_308 : vector<16x1x1xf32>
    %reshape3A_310 = vector.shape_cast %div3A_300 : vector<16x1x1xf32> to vector<16x1xf32>
    %transpose3A_311 = tpu.transpose %reshape3A_310, [1, 0] : vector<16x1xf32> -> vector<1x16xf32>
    %reshape3A_312 = vector.shape_cast %div3A_309 : vector<16x1x1xf32> to vector<16x1xf32>
    %transpose3A_313 = tpu.transpose %reshape3A_312, [1, 0] : vector<16x1xf32> -> vector<1x16xf32>
    %dot_general3A_314 = arith.constant dense<0.000000e+00> : vector<1x256xf32>
    %dot_general3A_315 = tpu.matmul %transpose3A_311, %get3A_1, %dot_general3A_314 {dimension_numbers = #tpu.dot_dimension_numbers<[1], [1], [0], [0], [0, 0, 1, 0], [], []>, precision = #tpu.contract_precision<fp32>, transpose_lhs_hint = false} : vector<1x16xf32>, vector<256x16xf32>, vector<1x256xf32> -> vector<1x256xf32>
    %dot_general3A_316 = arith.constant dense<0.000000e+00> : vector<1x256xf32>
    %dot_general3A_317 = tpu.matmul %transpose3A_313, %get3A_1, %dot_general3A_316 {dimension_numbers = #tpu.dot_dimension_numbers<[1], [1], [0], [0], [0, 0, 1, 0], [], []>, precision = #tpu.contract_precision<fp32>, transpose_lhs_hint = false} : vector<1x16xf32>, vector<256x16xf32>, vector<1x256xf32> -> vector<1x256xf32>
    %sub3A_318 = vector.broadcast %dot_general3A_315 : vector<1x256xf32> to vector<1024x256xf32>
    %sub3A_319 = arith.subf %dot_general3A_292, %sub3A_318 : vector<1024x256xf32>
    %add3A_320 = arith.constant 9.99999974E-6 : f32
    %add3A_321 = vector.broadcast %add3A_320 : f32 to vector<1x256xf32>
    %add3A_322 = arith.addf %dot_general3A_317, %add3A_321 : vector<1x256xf32>
    %sqrt3A_323 = math.sqrt %add3A_322 : vector<1x256xf32>
    %div3A_324 = vector.broadcast %sqrt3A_323 : vector<1x256xf32> to vector<1024x256xf32>
    %div3A_325 = arith.divf %sub3A_319, %div3A_324 : vector<1024x256xf32>
    %broadcast_in_dim3A_326 = vector.shape_cast %get3A_11 : vector<256xf32> to vector<1x256xf32>
    %mul3A_327 = vector.broadcast %broadcast_in_dim3A_326 : vector<1x256xf32> to vector<1024x256xf32>
    %mul3A_328 = arith.mulf %div3A_325, %mul3A_327 : vector<1024x256xf32>
    %broadcast_in_dim3A_329 = vector.shape_cast %get3A_13 : vector<256xf32> to vector<1x256xf32>
    %add3A_330 = vector.broadcast %broadcast_in_dim3A_329 : vector<1x256xf32> to vector<1024x256xf32>
    %add3A_331 = arith.addf %mul3A_328, %add3A_330 : vector<1024x256xf32>
    %add3A_332 = arith.addf %reshape3A_212, %add3A_331 : vector<1024x256xf32>
    %max3A_333 = arith.constant 0.000000e+00 : f32
    %max3A_334 = vector.broadcast %max3A_333 : f32 to vector<1024x256xf32>
    %max3A_335 = arith.maximumf %add3A_332, %max3A_334 : vector<1024x256xf32>
    %convert_element_type3A_336 = arith.truncf %max3A_335 : vector<1024x256xf32> to vector<1024x256xbf16>
    %jit3A_337 = arith.constant 0 : i32
    %convert_element_type3A_338 = arith.sitofp %jit3A_337 : i32 to bf16
    %pad3A_339 = vector.broadcast %convert_element_type3A_338 : bf16 to vector<2x256xbf16>
    %pad3A_340 = tpu.concatenate %pad3A_339, %convert_element_type3A_336 in 0 : vector<2x256xbf16>, vector<1024x256xbf16> -> vector<1026x256xbf16>
    %pad3A_341 = vector.broadcast %convert_element_type3A_338 : bf16 to vector<2x256xbf16>
    %pad3A_342 = tpu.concatenate %pad3A_340, %pad3A_341 in 0 : vector<1026x256xbf16>, vector<2x256xbf16> -> vector<1028x256xbf16>
    %slice3A_343 = vector.extract_strided_slice %pad3A_342 {offsets = [0, 0], sizes = [1024, 256], strides = [1, 1]} : vector<1028x256xbf16> to vector<1024x256xbf16>
    %slice3A_344 = vector.extract_strided_slice %pad3A_342 {offsets = [1, 0], sizes = [1024, 256], strides = [1, 1]} : vector<1028x256xbf16> to vector<1024x256xbf16>
    %slice3A_345 = vector.extract_strided_slice %pad3A_342 {offsets = [2, 0], sizes = [1024, 256], strides = [1, 1]} : vector<1028x256xbf16> to vector<1024x256xbf16>
    %slice3A_346 = vector.extract_strided_slice %pad3A_342 {offsets = [3, 0], sizes = [1024, 256], strides = [1, 1]} : vector<1028x256xbf16> to vector<1024x256xbf16>
    %slice3A_347 = vector.extract_strided_slice %pad3A_342 {offsets = [4, 0], sizes = [1024, 256], strides = [1, 1]} : vector<1028x256xbf16> to vector<1024x256xbf16>
    %concatenate3A_348 = tpu.concatenate %slice3A_343, %slice3A_344, %slice3A_345, %slice3A_346, %slice3A_347 in 1 : vector<1024x256xbf16>, vector<1024x256xbf16>, vector<1024x256xbf16>, vector<1024x256xbf16>, vector<1024x256xbf16> -> vector<1024x1280xbf16>
    %get3A_349 = arith.constant 0 : index
    %get3A_350 = arith.constant 0 : index
    %get3A_351 = arith.constant 0 : index
    %get3A_352 = vector.load %arg12[%get3A_349, %get3A_350, %get3A_351] : memref<5x256x80xf32, #tpu.memory_space<vmem>>, vector<5x256x80xf32>
    %reshape3A_353 = vector.shape_cast %get3A_352 : vector<5x256x80xf32> to vector<1280x80xf32>
    %convert_element_type3A_354 = arith.truncf %reshape3A_353 : vector<1280x80xf32> to vector<1280x80xbf16>
    %dot_general3A_355 = arith.constant dense<0.000000e+00> : vector<1024x80xf32>
    %dot_general3A_356 = tpu.matmul %concatenate3A_348, %convert_element_type3A_354, %dot_general3A_355 {dimension_numbers = #tpu.dot_dimension_numbers<[1], [0], [0], [1], [0, 0, 1, 1], [], []>, transpose_lhs_hint = false} : vector<1024x1280xbf16>, vector<1280x80xbf16>, vector<1024x80xf32> -> vector<1024x80xf32>
    %get3A_357 = arith.constant 0 : index
    %get3A_358 = vector.load %arg13[%get3A_357] : memref<80xf32, #tpu.memory_space<vmem>>, vector<80xf32>
    %broadcast_in_dim3A_359 = vector.shape_cast %get3A_358 : vector<80xf32> to vector<1x80xf32>
    %add3A_360 = vector.broadcast %broadcast_in_dim3A_359 : vector<1x80xf32> to vector<1024x80xf32>
    %add3A_361 = arith.addf %dot_general3A_356, %add3A_360 : vector<1024x80xf32>
    %transpose3A_362 = tpu.transpose %add3A_361, [1, 0] : vector<1024x80xf32> -> vector<80x1024xf32>
    %swap3A = arith.constant 0 : index
    %swap3A_363 = arith.constant 0 : index
    %swap3A_364 = arith.constant 0 : index
    %swap3A_365 = vector.load %arg15[%swap3A, %swap3A_363, %swap3A_364] : memref<2x80x1024xf32, #tpu.memory_space<vmem>>, vector<1x80x1024xf32>
    %swap3A_366 = vector.shape_cast %swap3A_365 : vector<1x80x1024xf32> to vector<80x1024xf32>
    %swap3A_367 = vector.shape_cast %transpose3A_362 : vector<80x1024xf32> to vector<1x80x1024xf32>
    tpu.vector_store %arg15[%swap3A, %swap3A_363, %swap3A_364], %swap3A_367 {strides = array<i32>} : memref<2x80x1024xf32, #tpu.memory_space<vmem>>, vector<1x80x1024xf32>,
    %get3A_368 = arith.constant 1 : index
    %get3A_369 = arith.constant 0 : index
    %get3A_370 = arith.constant 0 : index
    %get3A_371 = vector.load %arg1[%get3A_368, %get3A_369, %get3A_370] : memref<2x256x128xf32, #tpu.memory_space<vmem>>, vector<1x256x128xf32>
    %get3A_372 = vector.shape_cast %get3A_371 : vector<1x256x128xf32> to vector<256x128xf32>
    %slice3A_373 = vector.extract_strided_slice %get3A_372 {offsets = [0, 0], sizes = [256, 64], strides = [1, 1]} : vector<256x128xf32> to vector<256x64xf32>
    %get3A_374 = arith.constant 1 : index
    %get3A_375 = arith.constant 0 : index
    %get3A_376 = arith.constant 0 : index
    %get3A_377 = vector.load %arg2[%get3A_374, %get3A_375, %get3A_376] : memref<2x256x128xf32, #tpu.memory_space<vmem>>, vector<1x256x128xf32>
    %get3A_378 = vector.shape_cast %get3A_377 : vector<1x256x128xf32> to vector<256x128xf32>
    %slice3A_379 = vector.extract_strided_slice %get3A_378 {offsets = [0, 0], sizes = [256, 64], strides = [1, 1]} : vector<256x128xf32> to vector<256x64xf32>
    %sub3A_380 = arith.subf %slice3A_373, %slice3A_379 : vector<256x64xf32>
    %mul3A_381 = arith.mulf %sub3A_380, %sub3A_380 : vector<256x64xf32>
    %reduce_sum3A_382 = vector.shape_cast %mul3A_381 : vector<256x64xf32> to vector<1x256x64xf32>
    %reduce_sum3A_383 = arith.constant dense<0.000000e+00> : vector<1xf32>
    %reduce_sum3A_384 = vector.multi_reduction <add>, %reduce_sum3A_382, %reduce_sum3A_383 [1, 2] : vector<1x256x64xf32> to vector<1xf32>
    %reduce_sum3A_385 = vector.shape_cast %reduce_sum3A_384 : vector<1xf32> to vector<1x1x1xf32>
    %reduce_sum3A_386 = vector.extract %reduce_sum3A_385[0, 0, 0] : f32 from vector<1x1x1xf32>
    %add3A_387 = arith.addf %add3A_31, %reduce_sum3A_386 : f32
    %convert_element_type3A_388 = arith.truncf %slice3A_379 : vector<256x64xf32> to vector<256x64xbf16>
    %jit3A_389 = arith.constant 0 : i32
    %convert_element_type3A_390 = arith.sitofp %jit3A_389 : i32 to bf16
    %pad3A_391 = vector.broadcast %convert_element_type3A_390 : bf16 to vector<1x64xbf16>
    %pad3A_392 = tpu.concatenate %pad3A_391, %convert_element_type3A_388 in 0 : vector<1x64xbf16>, vector<256x64xbf16> -> vector<257x64xbf16>
    %pad3A_393 = vector.broadcast %convert_element_type3A_390 : bf16 to vector<1x64xbf16>
    %pad3A_394 = tpu.concatenate %pad3A_392, %pad3A_393 in 0 : vector<257x64xbf16>, vector<1x64xbf16> -> vector<258x64xbf16>
    %slice3A_395 = vector.extract_strided_slice %pad3A_394 {offsets = [0, 0], sizes = [256, 64], strides = [1, 1]} : vector<258x64xbf16> to vector<256x64xbf16>
    %slice3A_396 = vector.extract_strided_slice %pad3A_394 {offsets = [1, 0], sizes = [256, 64], strides = [1, 1]} : vector<258x64xbf16> to vector<256x64xbf16>
    %slice3A_397 = vector.extract_strided_slice %pad3A_394 {offsets = [2, 0], sizes = [256, 64], strides = [1, 1]} : vector<258x64xbf16> to vector<256x64xbf16>
    %concatenate3A_398 = tpu.concatenate %slice3A_395, %slice3A_396, %slice3A_397 in 1 : vector<256x64xbf16>, vector<256x64xbf16>, vector<256x64xbf16> -> vector<256x192xbf16>
    %get3A_399 = arith.constant 0 : index
    %get3A_400 = arith.constant 0 : index
    %get3A_401 = arith.constant 0 : index
    %get3A_402 = vector.load %arg3[%get3A_399, %get3A_400, %get3A_401] : memref<3x64x256xf32, #tpu.memory_space<vmem>>, vector<3x64x256xf32>
    %reshape3A_403 = vector.shape_cast %get3A_402 : vector<3x64x256xf32> to vector<192x256xf32>
    %convert_element_type3A_404 = arith.truncf %reshape3A_403 : vector<192x256xf32> to vector<192x256xbf16>
    %dot_general3A_405 = arith.constant dense<0.000000e+00> : vector<256x256xf32>
    %dot_general3A_406 = tpu.matmul %concatenate3A_398, %convert_element_type3A_404, %dot_general3A_405 {dimension_numbers = #tpu.dot_dimension_numbers<[1], [0], [0], [1], [0, 0, 1, 1], [], []>, transpose_lhs_hint = false} : vector<256x192xbf16>, vector<192x256xbf16>, vector<256x256xf32> -> vector<256x256xf32>
    %transpose3A_407 = tpu.transpose %dot_general3A_406, [1, 0] : vector<256x256xf32> -> vector<256x256xf32>
    %reshape3A_408 = vector.shape_cast %transpose3A_407 : vector<256x256xf32> to vector<16x16x256xf32>
    %reduce_sum3A_409 = arith.constant dense<0.000000e+00> : vector<16xf32>
    %reduce_sum3A_410 = vector.multi_reduction <add>, %reshape3A_408, %reduce_sum3A_409 [1, 2] : vector<16x16x256xf32> to vector<16xf32>
    %broadcast_in_dim3A_411 = vector.shape_cast %reduce_sum3A_410 : vector<16xf32> to vector<16x1x1xf32>
    %div3A_412 = arith.constant 4.096000e+03 : f32
    %div3A_413 = vector.broadcast %div3A_412 : f32 to vector<16x1x1xf32>
    %div3A_414 = arith.divf %broadcast_in_dim3A_411, %div3A_413 : vector<16x1x1xf32>
    %sub3A_415 = vector.broadcast %div3A_414 : vector<16x1x1xf32> to vector<16x16x256xf32>
    %sub3A_416 = arith.subf %reshape3A_408, %sub3A_415 : vector<16x16x256xf32>
    %integer_pow3A_417 = arith.mulf %sub3A_416, %sub3A_416 : vector<16x16x256xf32>
    %reduce_sum3A_418 = arith.constant dense<0.000000e+00> : vector<16xf32>
    %reduce_sum3A_419 = vector.multi_reduction <add>, %integer_pow3A_417, %reduce_sum3A_418 [1, 2] : vector<16x16x256xf32> to vector<16xf32>
    %broadcast_in_dim3A_420 = vector.shape_cast %reduce_sum3A_419 : vector<16xf32> to vector<16x1x1xf32>
    %div3A_421 = arith.constant 4.096000e+03 : f32
    %div3A_422 = vector.broadcast %div3A_421 : f32 to vector<16x1x1xf32>
    %div3A_423 = arith.divf %broadcast_in_dim3A_420, %div3A_422 : vector<16x1x1xf32>
    %reshape3A_424 = vector.shape_cast %div3A_414 : vector<16x1x1xf32> to vector<16x1xf32>
    %transpose3A_425 = tpu.transpose %reshape3A_424, [1, 0] : vector<16x1xf32> -> vector<1x16xf32>
    %reshape3A_426 = vector.shape_cast %div3A_423 : vector<16x1x1xf32> to vector<16x1xf32>
    %transpose3A_427 = tpu.transpose %reshape3A_426, [1, 0] : vector<16x1xf32> -> vector<1x16xf32>
    %dot_general3A_428 = arith.constant dense<0.000000e+00> : vector<1x256xf32>
    %dot_general3A_429 = tpu.matmul %transpose3A_425, %get3A_1, %dot_general3A_428 {dimension_numbers = #tpu.dot_dimension_numbers<[1], [1], [0], [0], [0, 0, 1, 0], [], []>, precision = #tpu.contract_precision<fp32>, transpose_lhs_hint = false} : vector<1x16xf32>, vector<256x16xf32>, vector<1x256xf32> -> vector<1x256xf32>
    %dot_general3A_430 = arith.constant dense<0.000000e+00> : vector<1x256xf32>
    %dot_general3A_431 = tpu.matmul %transpose3A_427, %get3A_1, %dot_general3A_430 {dimension_numbers = #tpu.dot_dimension_numbers<[1], [1], [0], [0], [0, 0, 1, 0], [], []>, precision = #tpu.contract_precision<fp32>, transpose_lhs_hint = false} : vector<1x16xf32>, vector<256x16xf32>, vector<1x256xf32> -> vector<1x256xf32>
    %sub3A_432 = vector.broadcast %dot_general3A_429 : vector<1x256xf32> to vector<256x256xf32>
    %sub3A_433 = arith.subf %dot_general3A_406, %sub3A_432 : vector<256x256xf32>
    %add3A_434 = arith.constant 9.99999974E-6 : f32
    %add3A_435 = vector.broadcast %add3A_434 : f32 to vector<1x256xf32>
    %add3A_436 = arith.addf %dot_general3A_431, %add3A_435 : vector<1x256xf32>
    %sqrt3A_437 = math.sqrt %add3A_436 : vector<1x256xf32>
    %div3A_438 = vector.broadcast %sqrt3A_437 : vector<1x256xf32> to vector<256x256xf32>
    %div3A_439 = arith.divf %sub3A_433, %div3A_438 : vector<256x256xf32>
    %broadcast_in_dim3A_440 = vector.shape_cast %get3A_3 : vector<256xf32> to vector<1x256xf32>
    %mul3A_441 = vector.broadcast %broadcast_in_dim3A_440 : vector<1x256xf32> to vector<256x256xf32>
    %mul3A_442 = arith.mulf %div3A_439, %mul3A_441 : vector<256x256xf32>
    %broadcast_in_dim3A_443 = vector.shape_cast %get3A_5 : vector<256xf32> to vector<1x256xf32>
    %add3A_444 = vector.broadcast %broadcast_in_dim3A_443 : vector<1x256xf32> to vector<256x256xf32>
    %add3A_445 = arith.addf %mul3A_442, %add3A_444 : vector<256x256xf32>
    %max3A_446 = arith.constant 0.000000e+00 : f32
    %max3A_447 = vector.broadcast %max3A_446 : f32 to vector<256x256xf32>
    %max3A_448 = arith.maximumf %add3A_445, %max3A_447 : vector<256x256xf32>
    %broadcast_in_dim3A_449 = vector.shape_cast %max3A_448 : vector<256x256xf32> to vector<256x1x256xf32>
    %broadcast_in_dim3A_450 = vector.shape_cast %broadcast_in_dim3A_449 : vector<256x1x256xf32> to vector<256x1x256xf32>
    %broadcast_in_dim3A_451 = vector.broadcast %broadcast_in_dim3A_450 : vector<256x1x256xf32> to vector<256x2x256xf32>
    %reshape3A_452 = vector.shape_cast %broadcast_in_dim3A_451 : vector<256x2x256xf32> to vector<512x256xf32>
    %convert_element_type3A_453 = arith.truncf %reshape3A_452 : vector<512x256xf32> to vector<512x256xbf16>
    %jit3A_454 = arith.constant 0 : i32
    %convert_element_type3A_455 = arith.sitofp %jit3A_454 : i32 to bf16
    %pad3A_456 = vector.broadcast %convert_element_type3A_455 : bf16 to vector<1x256xbf16>
    %pad3A_457 = tpu.concatenate %pad3A_456, %convert_element_type3A_453 in 0 : vector<1x256xbf16>, vector<512x256xbf16> -> vector<513x256xbf16>
    %pad3A_458 = vector.broadcast %convert_element_type3A_455 : bf16 to vector<1x256xbf16>
    %pad3A_459 = tpu.concatenate %pad3A_457, %pad3A_458 in 0 : vector<513x256xbf16>, vector<1x256xbf16> -> vector<514x256xbf16>
    %slice3A_460 = vector.extract_strided_slice %pad3A_459 {offsets = [0, 0], sizes = [512, 256], strides = [1, 1]} : vector<514x256xbf16> to vector<512x256xbf16>
    %slice3A_461 = vector.extract_strided_slice %pad3A_459 {offsets = [1, 0], sizes = [512, 256], strides = [1, 1]} : vector<514x256xbf16> to vector<512x256xbf16>
    %slice3A_462 = vector.extract_strided_slice %pad3A_459 {offsets = [2, 0], sizes = [512, 256], strides = [1, 1]} : vector<514x256xbf16> to vector<512x256xbf16>
    %concatenate3A_463 = tpu.concatenate %slice3A_460, %slice3A_461, %slice3A_462 in 1 : vector<512x256xbf16>, vector<512x256xbf16>, vector<512x256xbf16> -> vector<512x768xbf16>
    %get3A_464 = arith.constant 0 : index
    %get3A_465 = arith.constant 0 : index
    %get3A_466 = arith.constant 0 : index
    %get3A_467 = vector.load %arg6[%get3A_464, %get3A_465, %get3A_466] : memref<3x256x256xf32, #tpu.memory_space<vmem>>, vector<3x256x256xf32>
    %reshape3A_468 = vector.shape_cast %get3A_467 : vector<3x256x256xf32> to vector<768x256xf32>
    %convert_element_type3A_469 = arith.truncf %reshape3A_468 : vector<768x256xf32> to vector<768x256xbf16>
    %dot_general3A_470 = arith.constant dense<0.000000e+00> : vector<512x256xf32>
    %dot_general3A_471 = tpu.matmul %concatenate3A_463, %convert_element_type3A_469, %dot_general3A_470 {dimension_numbers = #tpu.dot_dimension_numbers<[1], [0], [0], [1], [0, 0, 1, 1], [], []>, transpose_lhs_hint = false} : vector<512x768xbf16>, vector<768x256xbf16>, vector<512x256xf32> -> vector<512x256xf32>
    %transpose3A_472 = tpu.transpose %dot_general3A_471, [1, 0] : vector<512x256xf32> -> vector<256x512xf32>
    %reshape3A_473 = vector.shape_cast %transpose3A_472 : vector<256x512xf32> to vector<16x16x512xf32>
    %reduce_sum3A_474 = arith.constant dense<0.000000e+00> : vector<16xf32>
    %reduce_sum3A_475 = vector.multi_reduction <add>, %reshape3A_473, %reduce_sum3A_474 [1, 2] : vector<16x16x512xf32> to vector<16xf32>
    %broadcast_in_dim3A_476 = vector.shape_cast %reduce_sum3A_475 : vector<16xf32> to vector<16x1x1xf32>
    %div3A_477 = arith.constant 8.192000e+03 : f32
    %div3A_478 = vector.broadcast %div3A_477 : f32 to vector<16x1x1xf32>
    %div3A_479 = arith.divf %broadcast_in_dim3A_476, %div3A_478 : vector<16x1x1xf32>
    %sub3A_480 = vector.broadcast %div3A_479 : vector<16x1x1xf32> to vector<16x16x512xf32>
    %sub3A_481 = arith.subf %reshape3A_473, %sub3A_480 : vector<16x16x512xf32>
    %integer_pow3A_482 = arith.mulf %sub3A_481, %sub3A_481 : vector<16x16x512xf32>
    %reduce_sum3A_483 = arith.constant dense<0.000000e+00> : vector<16xf32>
    %reduce_sum3A_484 = vector.multi_reduction <add>, %integer_pow3A_482, %reduce_sum3A_483 [1, 2] : vector<16x16x512xf32> to vector<16xf32>
    %broadcast_in_dim3A_485 = vector.shape_cast %reduce_sum3A_484 : vector<16xf32> to vector<16x1x1xf32>
    %div3A_486 = arith.constant 8.192000e+03 : f32
    %div3A_487 = vector.broadcast %div3A_486 : f32 to vector<16x1x1xf32>
    %div3A_488 = arith.divf %broadcast_in_dim3A_485, %div3A_487 : vector<16x1x1xf32>
    %reshape3A_489 = vector.shape_cast %div3A_479 : vector<16x1x1xf32> to vector<16x1xf32>
    %transpose3A_490 = tpu.transpose %reshape3A_489, [1, 0] : vector<16x1xf32> -> vector<1x16xf32>
    %reshape3A_491 = vector.shape_cast %div3A_488 : vector<16x1x1xf32> to vector<16x1xf32>
    %transpose3A_492 = tpu.transpose %reshape3A_491, [1, 0] : vector<16x1xf32> -> vector<1x16xf32>
    %dot_general3A_493 = arith.constant dense<0.000000e+00> : vector<1x256xf32>
    %dot_general3A_494 = tpu.matmul %transpose3A_490, %get3A_1, %dot_general3A_493 {dimension_numbers = #tpu.dot_dimension_numbers<[1], [1], [0], [0], [0, 0, 1, 0], [], []>, precision = #tpu.contract_precision<fp32>, transpose_lhs_hint = false} : vector<1x16xf32>, vector<256x16xf32>, vector<1x256xf32> -> vector<1x256xf32>
    %dot_general3A_495 = arith.constant dense<0.000000e+00> : vector<1x256xf32>
    %dot_general3A_496 = tpu.matmul %transpose3A_492, %get3A_1, %dot_general3A_495 {dimension_numbers = #tpu.dot_dimension_numbers<[1], [1], [0], [0], [0, 0, 1, 0], [], []>, precision = #tpu.contract_precision<fp32>, transpose_lhs_hint = false} : vector<1x16xf32>, vector<256x16xf32>, vector<1x256xf32> -> vector<1x256xf32>
    %sub3A_497 = vector.broadcast %dot_general3A_494 : vector<1x256xf32> to vector<512x256xf32>
    %sub3A_498 = arith.subf %dot_general3A_471, %sub3A_497 : vector<512x256xf32>
    %add3A_499 = arith.constant 9.99999974E-6 : f32
    %add3A_500 = vector.broadcast %add3A_499 : f32 to vector<1x256xf32>
    %add3A_501 = arith.addf %dot_general3A_496, %add3A_500 : vector<1x256xf32>
    %sqrt3A_502 = math.sqrt %add3A_501 : vector<1x256xf32>
    %div3A_503 = vector.broadcast %sqrt3A_502 : vector<1x256xf32> to vector<512x256xf32>
    %div3A_504 = arith.divf %sub3A_498, %div3A_503 : vector<512x256xf32>
    %broadcast_in_dim3A_505 = vector.shape_cast %get3A_7 : vector<256xf32> to vector<1x256xf32>
    %mul3A_506 = vector.broadcast %broadcast_in_dim3A_505 : vector<1x256xf32> to vector<512x256xf32>
    %mul3A_507 = arith.mulf %div3A_504, %mul3A_506 : vector<512x256xf32>
    %broadcast_in_dim3A_508 = vector.shape_cast %get3A_9 : vector<256xf32> to vector<1x256xf32>
    %add3A_509 = vector.broadcast %broadcast_in_dim3A_508 : vector<1x256xf32> to vector<512x256xf32>
    %add3A_510 = arith.addf %mul3A_507, %add3A_509 : vector<512x256xf32>
    %max3A_511 = arith.constant 0.000000e+00 : f32
    %max3A_512 = vector.broadcast %max3A_511 : f32 to vector<512x256xf32>
    %max3A_513 = arith.maximumf %add3A_510, %max3A_512 : vector<512x256xf32>
    %convert_element_type3A_514 = arith.truncf %max3A_513 : vector<512x256xf32> to vector<512x256xbf16>
    %jit3A_515 = arith.constant 0 : i32
    %convert_element_type3A_516 = arith.sitofp %jit3A_515 : i32 to bf16
    %pad3A_517 = vector.broadcast %convert_element_type3A_516 : bf16 to vector<1x256xbf16>
    %pad3A_518 = tpu.concatenate %pad3A_517, %convert_element_type3A_514 in 0 : vector<1x256xbf16>, vector<512x256xbf16> -> vector<513x256xbf16>
    %pad3A_519 = vector.broadcast %convert_element_type3A_516 : bf16 to vector<1x256xbf16>
    %pad3A_520 = tpu.concatenate %pad3A_518, %pad3A_519 in 0 : vector<513x256xbf16>, vector<1x256xbf16> -> vector<514x256xbf16>
    %slice3A_521 = vector.extract_strided_slice %pad3A_520 {offsets = [0, 0], sizes = [512, 256], strides = [1, 1]} : vector<514x256xbf16> to vector<512x256xbf16>
    %slice3A_522 = vector.extract_strided_slice %pad3A_520 {offsets = [1, 0], sizes = [512, 256], strides = [1, 1]} : vector<514x256xbf16> to vector<512x256xbf16>
    %slice3A_523 = vector.extract_strided_slice %pad3A_520 {offsets = [2, 0], sizes = [512, 256], strides = [1, 1]} : vector<514x256xbf16> to vector<512x256xbf16>
    %concatenate3A_524 = tpu.concatenate %slice3A_521, %slice3A_522, %slice3A_523 in 1 : vector<512x256xbf16>, vector<512x256xbf16>, vector<512x256xbf16> -> vector<512x768xbf16>
    %get3A_525 = arith.constant 0 : index
    %get3A_526 = arith.constant 0 : index
    %get3A_527 = arith.constant 0 : index
    %get3A_528 = vector.load %arg9[%get3A_525, %get3A_526, %get3A_527] : memref<3x256x256xf32, #tpu.memory_space<vmem>>, vector<3x256x256xf32>
    %reshape3A_529 = vector.shape_cast %get3A_528 : vector<3x256x256xf32> to vector<768x256xf32>
    %convert_element_type3A_530 = arith.truncf %reshape3A_529 : vector<768x256xf32> to vector<768x256xbf16>
    %dot_general3A_531 = arith.constant dense<0.000000e+00> : vector<512x256xf32>
    %dot_general3A_532 = tpu.matmul %concatenate3A_524, %convert_element_type3A_530, %dot_general3A_531 {dimension_numbers = #tpu.dot_dimension_numbers<[1], [0], [0], [1], [0, 0, 1, 1], [], []>, transpose_lhs_hint = false} : vector<512x768xbf16>, vector<768x256xbf16>, vector<512x256xf32> -> vector<512x256xf32>
    %transpose3A_533 = tpu.transpose %dot_general3A_532, [1, 0] : vector<512x256xf32> -> vector<256x512xf32>
    %reshape3A_534 = vector.shape_cast %transpose3A_533 : vector<256x512xf32> to vector<16x16x512xf32>
    %reduce_sum3A_535 = arith.constant dense<0.000000e+00> : vector<16xf32>
    %reduce_sum3A_536 = vector.multi_reduction <add>, %reshape3A_534, %reduce_sum3A_535 [1, 2] : vector<16x16x512xf32> to vector<16xf32>
    %broadcast_in_dim3A_537 = vector.shape_cast %reduce_sum3A_536 : vector<16xf32> to vector<16x1x1xf32>
    %div3A_538 = arith.constant 8.192000e+03 : f32
    %div3A_539 = vector.broadcast %div3A_538 : f32 to vector<16x1x1xf32>
    %div3A_540 = arith.divf %broadcast_in_dim3A_537, %div3A_539 : vector<16x1x1xf32>
    %sub3A_541 = vector.broadcast %div3A_540 : vector<16x1x1xf32> to vector<16x16x512xf32>
    %sub3A_542 = arith.subf %reshape3A_534, %sub3A_541 : vector<16x16x512xf32>
    %integer_pow3A_543 = arith.mulf %sub3A_542, %sub3A_542 : vector<16x16x512xf32>
    %reduce_sum3A_544 = arith.constant dense<0.000000e+00> : vector<16xf32>
    %reduce_sum3A_545 = vector.multi_reduction <add>, %integer_pow3A_543, %reduce_sum3A_544 [1, 2] : vector<16x16x512xf32> to vector<16xf32>
    %broadcast_in_dim3A_546 = vector.shape_cast %reduce_sum3A_545 : vector<16xf32> to vector<16x1x1xf32>
    %div3A_547 = arith.constant 8.192000e+03 : f32
    %div3A_548 = vector.broadcast %div3A_547 : f32 to vector<16x1x1xf32>
    %div3A_549 = arith.divf %broadcast_in_dim3A_546, %div3A_548 : vector<16x1x1xf32>
    %reshape3A_550 = vector.shape_cast %div3A_540 : vector<16x1x1xf32> to vector<16x1xf32>
    %transpose3A_551 = tpu.transpose %reshape3A_550, [1, 0] : vector<16x1xf32> -> vector<1x16xf32>
    %reshape3A_552 = vector.shape_cast %div3A_549 : vector<16x1x1xf32> to vector<16x1xf32>
    %transpose3A_553 = tpu.transpose %reshape3A_552, [1, 0] : vector<16x1xf32> -> vector<1x16xf32>
    %dot_general3A_554 = arith.constant dense<0.000000e+00> : vector<1x256xf32>
    %dot_general3A_555 = tpu.matmul %transpose3A_551, %get3A_1, %dot_general3A_554 {dimension_numbers = #tpu.dot_dimension_numbers<[1], [1], [0], [0], [0, 0, 1, 0], [], []>, precision = #tpu.contract_precision<fp32>, transpose_lhs_hint = false} : vector<1x16xf32>, vector<256x16xf32>, vector<1x256xf32> -> vector<1x256xf32>
    %dot_general3A_556 = arith.constant dense<0.000000e+00> : vector<1x256xf32>
    %dot_general3A_557 = tpu.matmul %transpose3A_553, %get3A_1, %dot_general3A_556 {dimension_numbers = #tpu.dot_dimension_numbers<[1], [1], [0], [0], [0, 0, 1, 0], [], []>, precision = #tpu.contract_precision<fp32>, transpose_lhs_hint = false} : vector<1x16xf32>, vector<256x16xf32>, vector<1x256xf32> -> vector<1x256xf32>
    %sub3A_558 = vector.broadcast %dot_general3A_555 : vector<1x256xf32> to vector<512x256xf32>
    %sub3A_559 = arith.subf %dot_general3A_532, %sub3A_558 : vector<512x256xf32>
    %add3A_560 = arith.constant 9.99999974E-6 : f32
    %add3A_561 = vector.broadcast %add3A_560 : f32 to vector<1x256xf32>
    %add3A_562 = arith.addf %dot_general3A_557, %add3A_561 : vector<1x256xf32>
    %sqrt3A_563 = math.sqrt %add3A_562 : vector<1x256xf32>
    %div3A_564 = vector.broadcast %sqrt3A_563 : vector<1x256xf32> to vector<512x256xf32>
    %div3A_565 = arith.divf %sub3A_559, %div3A_564 : vector<512x256xf32>
    %broadcast_in_dim3A_566 = vector.shape_cast %get3A_11 : vector<256xf32> to vector<1x256xf32>
    %mul3A_567 = vector.broadcast %broadcast_in_dim3A_566 : vector<1x256xf32> to vector<512x256xf32>
    %mul3A_568 = arith.mulf %div3A_565, %mul3A_567 : vector<512x256xf32>
    %broadcast_in_dim3A_569 = vector.shape_cast %get3A_13 : vector<256xf32> to vector<1x256xf32>
    %add3A_570 = vector.broadcast %broadcast_in_dim3A_569 : vector<1x256xf32> to vector<512x256xf32>
    %add3A_571 = arith.addf %mul3A_568, %add3A_570 : vector<512x256xf32>
    %add3A_572 = arith.addf %reshape3A_452, %add3A_571 : vector<512x256xf32>
    %max3A_573 = arith.constant 0.000000e+00 : f32
    %max3A_574 = vector.broadcast %max3A_573 : f32 to vector<512x256xf32>
    %max3A_575 = arith.maximumf %add3A_572, %max3A_574 : vector<512x256xf32>
    %broadcast_in_dim3A_576 = vector.shape_cast %max3A_575 : vector<512x256xf32> to vector<512x1x256xf32>
    %broadcast_in_dim3A_577 = vector.shape_cast %broadcast_in_dim3A_576 : vector<512x1x256xf32> to vector<512x1x256xf32>
    %broadcast_in_dim3A_578 = vector.broadcast %broadcast_in_dim3A_577 : vector<512x1x256xf32> to vector<512x2x256xf32>
    %reshape3A_579 = vector.shape_cast %broadcast_in_dim3A_578 : vector<512x2x256xf32> to vector<1024x256xf32>
    %convert_element_type3A_580 = arith.truncf %reshape3A_579 : vector<1024x256xf32> to vector<1024x256xbf16>
    %jit3A_581 = arith.constant 0 : i32
    %convert_element_type3A_582 = arith.sitofp %jit3A_581 : i32 to bf16
    %pad3A_583 = vector.broadcast %convert_element_type3A_582 : bf16 to vector<1x256xbf16>
    %pad3A_584 = tpu.concatenate %pad3A_583, %convert_element_type3A_580 in 0 : vector<1x256xbf16>, vector<1024x256xbf16> -> vector<1025x256xbf16>
    %pad3A_585 = vector.broadcast %convert_element_type3A_582 : bf16 to vector<1x256xbf16>
    %pad3A_586 = tpu.concatenate %pad3A_584, %pad3A_585 in 0 : vector<1025x256xbf16>, vector<1x256xbf16> -> vector<1026x256xbf16>
    %slice3A_587 = vector.extract_strided_slice %pad3A_586 {offsets = [0, 0], sizes = [1024, 256], strides = [1, 1]} : vector<1026x256xbf16> to vector<1024x256xbf16>
    %slice3A_588 = vector.extract_strided_slice %pad3A_586 {offsets = [1, 0], sizes = [1024, 256], strides = [1, 1]} : vector<1026x256xbf16> to vector<1024x256xbf16>
    %slice3A_589 = vector.extract_strided_slice %pad3A_586 {offsets = [2, 0], sizes = [1024, 256], strides = [1, 1]} : vector<1026x256xbf16> to vector<1024x256xbf16>
    %concatenate3A_590 = tpu.concatenate %slice3A_587, %slice3A_588, %slice3A_589 in 1 : vector<1024x256xbf16>, vector<1024x256xbf16>, vector<1024x256xbf16> -> vector<1024x768xbf16>
    %get3A_591 = arith.constant 0 : index
    %get3A_592 = arith.constant 0 : index
    %get3A_593 = arith.constant 0 : index
    %get3A_594 = vector.load %arg6[%get3A_591, %get3A_592, %get3A_593] : memref<3x256x256xf32, #tpu.memory_space<vmem>>, vector<3x256x256xf32>
    %reshape3A_595 = vector.shape_cast %get3A_594 : vector<3x256x256xf32> to vector<768x256xf32>
    %convert_element_type3A_596 = arith.truncf %reshape3A_595 : vector<768x256xf32> to vector<768x256xbf16>
    %dot_general3A_597 = arith.constant dense<0.000000e+00> : vector<1024x256xf32>
    %dot_general3A_598 = tpu.matmul %concatenate3A_590, %convert_element_type3A_596, %dot_general3A_597 {dimension_numbers = #tpu.dot_dimension_numbers<[1], [0], [0], [1], [0, 0, 1, 1], [], []>, transpose_lhs_hint = false} : vector<1024x768xbf16>, vector<768x256xbf16>, vector<1024x256xf32> -> vector<1024x256xf32>
    %transpose3A_599 = tpu.transpose %dot_general3A_598, [1, 0] : vector<1024x256xf32> -> vector<256x1024xf32>
    %reshape3A_600 = vector.shape_cast %transpose3A_599 : vector<256x1024xf32> to vector<16x16x1024xf32>
    %reduce_sum3A_601 = arith.constant dense<0.000000e+00> : vector<16xf32>
    %reduce_sum3A_602 = vector.multi_reduction <add>, %reshape3A_600, %reduce_sum3A_601 [1, 2] : vector<16x16x1024xf32> to vector<16xf32>
    %broadcast_in_dim3A_603 = vector.shape_cast %reduce_sum3A_602 : vector<16xf32> to vector<16x1x1xf32>
    %div3A_604 = arith.constant 1.638400e+04 : f32
    %div3A_605 = vector.broadcast %div3A_604 : f32 to vector<16x1x1xf32>
    %div3A_606 = arith.divf %broadcast_in_dim3A_603, %div3A_605 : vector<16x1x1xf32>
    %sub3A_607 = vector.broadcast %div3A_606 : vector<16x1x1xf32> to vector<16x16x1024xf32>
    %sub3A_608 = arith.subf %reshape3A_600, %sub3A_607 : vector<16x16x1024xf32>
    %integer_pow3A_609 = arith.mulf %sub3A_608, %sub3A_608 : vector<16x16x1024xf32>
    %reduce_sum3A_610 = arith.constant dense<0.000000e+00> : vector<16xf32>
    %reduce_sum3A_611 = vector.multi_reduction <add>, %integer_pow3A_609, %reduce_sum3A_610 [1, 2] : vector<16x16x1024xf32> to vector<16xf32>
    %broadcast_in_dim3A_612 = vector.shape_cast %reduce_sum3A_611 : vector<16xf32> to vector<16x1x1xf32>
    %div3A_613 = arith.constant 1.638400e+04 : f32
    %div3A_614 = vector.broadcast %div3A_613 : f32 to vector<16x1x1xf32>
    %div3A_615 = arith.divf %broadcast_in_dim3A_612, %div3A_614 : vector<16x1x1xf32>
    %reshape3A_616 = vector.shape_cast %div3A_606 : vector<16x1x1xf32> to vector<16x1xf32>
    %transpose3A_617 = tpu.transpose %reshape3A_616, [1, 0] : vector<16x1xf32> -> vector<1x16xf32>
    %reshape3A_618 = vector.shape_cast %div3A_615 : vector<16x1x1xf32> to vector<16x1xf32>
    %transpose3A_619 = tpu.transpose %reshape3A_618, [1, 0] : vector<16x1xf32> -> vector<1x16xf32>
    %dot_general3A_620 = arith.constant dense<0.000000e+00> : vector<1x256xf32>
    %dot_general3A_621 = tpu.matmul %transpose3A_617, %get3A_1, %dot_general3A_620 {dimension_numbers = #tpu.dot_dimension_numbers<[1], [1], [0], [0], [0, 0, 1, 0], [], []>, precision = #tpu.contract_precision<fp32>, transpose_lhs_hint = false} : vector<1x16xf32>, vector<256x16xf32>, vector<1x256xf32> -> vector<1x256xf32>
    %dot_general3A_622 = arith.constant dense<0.000000e+00> : vector<1x256xf32>
    %dot_general3A_623 = tpu.matmul %transpose3A_619, %get3A_1, %dot_general3A_622 {dimension_numbers = #tpu.dot_dimension_numbers<[1], [1], [0], [0], [0, 0, 1, 0], [], []>, precision = #tpu.contract_precision<fp32>, transpose_lhs_hint = false} : vector<1x16xf32>, vector<256x16xf32>, vector<1x256xf32> -> vector<1x256xf32>
    %sub3A_624 = vector.broadcast %dot_general3A_621 : vector<1x256xf32> to vector<1024x256xf32>
    %sub3A_625 = arith.subf %dot_general3A_598, %sub3A_624 : vector<1024x256xf32>
    %add3A_626 = arith.constant 9.99999974E-6 : f32
    %add3A_627 = vector.broadcast %add3A_626 : f32 to vector<1x256xf32>
    %add3A_628 = arith.addf %dot_general3A_623, %add3A_627 : vector<1x256xf32>
    %sqrt3A_629 = math.sqrt %add3A_628 : vector<1x256xf32>
    %div3A_630 = vector.broadcast %sqrt3A_629 : vector<1x256xf32> to vector<1024x256xf32>
    %div3A_631 = arith.divf %sub3A_625, %div3A_630 : vector<1024x256xf32>
    %broadcast_in_dim3A_632 = vector.shape_cast %get3A_7 : vector<256xf32> to vector<1x256xf32>
    %mul3A_633 = vector.broadcast %broadcast_in_dim3A_632 : vector<1x256xf32> to vector<1024x256xf32>
    %mul3A_634 = arith.mulf %div3A_631, %mul3A_633 : vector<1024x256xf32>
    %broadcast_in_dim3A_635 = vector.shape_cast %get3A_9 : vector<256xf32> to vector<1x256xf32>
    %add3A_636 = vector.broadcast %broadcast_in_dim3A_635 : vector<1x256xf32> to vector<1024x256xf32>
    %add3A_637 = arith.addf %mul3A_634, %add3A_636 : vector<1024x256xf32>
    %max3A_638 = arith.constant 0.000000e+00 : f32
    %max3A_639 = vector.broadcast %max3A_638 : f32 to vector<1024x256xf32>
    %max3A_640 = arith.maximumf %add3A_637, %max3A_639 : vector<1024x256xf32>
    %convert_element_type3A_641 = arith.truncf %max3A_640 : vector<1024x256xf32> to vector<1024x256xbf16>
    %jit3A_642 = arith.constant 0 : i32
    %convert_element_type3A_643 = arith.sitofp %jit3A_642 : i32 to bf16
    %pad3A_644 = vector.broadcast %convert_element_type3A_643 : bf16 to vector<1x256xbf16>
    %pad3A_645 = tpu.concatenate %pad3A_644, %convert_element_type3A_641 in 0 : vector<1x256xbf16>, vector<1024x256xbf16> -> vector<1025x256xbf16>
    %pad3A_646 = vector.broadcast %convert_element_type3A_643 : bf16 to vector<1x256xbf16>
    %pad3A_647 = tpu.concatenate %pad3A_645, %pad3A_646 in 0 : vector<1025x256xbf16>, vector<1x256xbf16> -> vector<1026x256xbf16>
    %slice3A_648 = vector.extract_strided_slice %pad3A_647 {offsets = [0, 0], sizes = [1024, 256], strides = [1, 1]} : vector<1026x256xbf16> to vector<1024x256xbf16>
    %slice3A_649 = vector.extract_strided_slice %pad3A_647 {offsets = [1, 0], sizes = [1024, 256], strides = [1, 1]} : vector<1026x256xbf16> to vector<1024x256xbf16>
    %slice3A_650 = vector.extract_strided_slice %pad3A_647 {offsets = [2, 0], sizes = [1024, 256], strides = [1, 1]} : vector<1026x256xbf16> to vector<1024x256xbf16>
    %concatenate3A_651 = tpu.concatenate %slice3A_648, %slice3A_649, %slice3A_650 in 1 : vector<1024x256xbf16>, vector<1024x256xbf16>, vector<1024x256xbf16> -> vector<1024x768xbf16>
    %get3A_652 = arith.constant 0 : index
    %get3A_653 = arith.constant 0 : index
    %get3A_654 = arith.constant 0 : index
    %get3A_655 = vector.load %arg9[%get3A_652, %get3A_653, %get3A_654] : memref<3x256x256xf32, #tpu.memory_space<vmem>>, vector<3x256x256xf32>
    %reshape3A_656 = vector.shape_cast %get3A_655 : vector<3x256x256xf32> to vector<768x256xf32>
    %convert_element_type3A_657 = arith.truncf %reshape3A_656 : vector<768x256xf32> to vector<768x256xbf16>
    %dot_general3A_658 = arith.constant dense<0.000000e+00> : vector<1024x256xf32>
    %dot_general3A_659 = tpu.matmul %concatenate3A_651, %convert_element_type3A_657, %dot_general3A_658 {dimension_numbers = #tpu.dot_dimension_numbers<[1], [0], [0], [1], [0, 0, 1, 1], [], []>, transpose_lhs_hint = false} : vector<1024x768xbf16>, vector<768x256xbf16>, vector<1024x256xf32> -> vector<1024x256xf32>
    %transpose3A_660 = tpu.transpose %dot_general3A_659, [1, 0] : vector<1024x256xf32> -> vector<256x1024xf32>
    %reshape3A_661 = vector.shape_cast %transpose3A_660 : vector<256x1024xf32> to vector<16x16x1024xf32>
    %reduce_sum3A_662 = arith.constant dense<0.000000e+00> : vector<16xf32>
    %reduce_sum3A_663 = vector.multi_reduction <add>, %reshape3A_661, %reduce_sum3A_662 [1, 2] : vector<16x16x1024xf32> to vector<16xf32>
    %broadcast_in_dim3A_664 = vector.shape_cast %reduce_sum3A_663 : vector<16xf32> to vector<16x1x1xf32>
    %div3A_665 = arith.constant 1.638400e+04 : f32
    %div3A_666 = vector.broadcast %div3A_665 : f32 to vector<16x1x1xf32>
    %div3A_667 = arith.divf %broadcast_in_dim3A_664, %div3A_666 : vector<16x1x1xf32>
    %sub3A_668 = vector.broadcast %div3A_667 : vector<16x1x1xf32> to vector<16x16x1024xf32>
    %sub3A_669 = arith.subf %reshape3A_661, %sub3A_668 : vector<16x16x1024xf32>
    %integer_pow3A_670 = arith.mulf %sub3A_669, %sub3A_669 : vector<16x16x1024xf32>
    %reduce_sum3A_671 = arith.constant dense<0.000000e+00> : vector<16xf32>
    %reduce_sum3A_672 = vector.multi_reduction <add>, %integer_pow3A_670, %reduce_sum3A_671 [1, 2] : vector<16x16x1024xf32> to vector<16xf32>
    %broadcast_in_dim3A_673 = vector.shape_cast %reduce_sum3A_672 : vector<16xf32> to vector<16x1x1xf32>
    %div3A_674 = arith.constant 1.638400e+04 : f32
    %div3A_675 = vector.broadcast %div3A_674 : f32 to vector<16x1x1xf32>
    %div3A_676 = arith.divf %broadcast_in_dim3A_673, %div3A_675 : vector<16x1x1xf32>
    %reshape3A_677 = vector.shape_cast %div3A_667 : vector<16x1x1xf32> to vector<16x1xf32>
    %transpose3A_678 = tpu.transpose %reshape3A_677, [1, 0] : vector<16x1xf32> -> vector<1x16xf32>
    %reshape3A_679 = vector.shape_cast %div3A_676 : vector<16x1x1xf32> to vector<16x1xf32>
    %transpose3A_680 = tpu.transpose %reshape3A_679, [1, 0] : vector<16x1xf32> -> vector<1x16xf32>
    %dot_general3A_681 = arith.constant dense<0.000000e+00> : vector<1x256xf32>
    %dot_general3A_682 = tpu.matmul %transpose3A_678, %get3A_1, %dot_general3A_681 {dimension_numbers = #tpu.dot_dimension_numbers<[1], [1], [0], [0], [0, 0, 1, 0], [], []>, precision = #tpu.contract_precision<fp32>, transpose_lhs_hint = false} : vector<1x16xf32>, vector<256x16xf32>, vector<1x256xf32> -> vector<1x256xf32>
    %dot_general3A_683 = arith.constant dense<0.000000e+00> : vector<1x256xf32>
    %dot_general3A_684 = tpu.matmul %transpose3A_680, %get3A_1, %dot_general3A_683 {dimension_numbers = #tpu.dot_dimension_numbers<[1], [1], [0], [0], [0, 0, 1, 0], [], []>, precision = #tpu.contract_precision<fp32>, transpose_lhs_hint = false} : vector<1x16xf32>, vector<256x16xf32>, vector<1x256xf32> -> vector<1x256xf32>
    %sub3A_685 = vector.broadcast %dot_general3A_682 : vector<1x256xf32> to vector<1024x256xf32>
    %sub3A_686 = arith.subf %dot_general3A_659, %sub3A_685 : vector<1024x256xf32>
    %add3A_687 = arith.constant 9.99999974E-6 : f32
    %add3A_688 = vector.broadcast %add3A_687 : f32 to vector<1x256xf32>
    %add3A_689 = arith.addf %dot_general3A_684, %add3A_688 : vector<1x256xf32>
    %sqrt3A_690 = math.sqrt %add3A_689 : vector<1x256xf32>
    %div3A_691 = vector.broadcast %sqrt3A_690 : vector<1x256xf32> to vector<1024x256xf32>
    %div3A_692 = arith.divf %sub3A_686, %div3A_691 : vector<1024x256xf32>
    %broadcast_in_dim3A_693 = vector.shape_cast %get3A_11 : vector<256xf32> to vector<1x256xf32>
    %mul3A_694 = vector.broadcast %broadcast_in_dim3A_693 : vector<1x256xf32> to vector<1024x256xf32>
    %mul3A_695 = arith.mulf %div3A_692, %mul3A_694 : vector<1024x256xf32>
    %broadcast_in_dim3A_696 = vector.shape_cast %get3A_13 : vector<256xf32> to vector<1x256xf32>
    %add3A_697 = vector.broadcast %broadcast_in_dim3A_696 : vector<1x256xf32> to vector<1024x256xf32>
    %add3A_698 = arith.addf %mul3A_695, %add3A_697 : vector<1024x256xf32>
    %add3A_699 = arith.addf %reshape3A_579, %add3A_698 : vector<1024x256xf32>
    %max3A_700 = arith.constant 0.000000e+00 : f32
    %max3A_701 = vector.broadcast %max3A_700 : f32 to vector<1024x256xf32>
    %max3A_702 = arith.maximumf %add3A_699, %max3A_701 : vector<1024x256xf32>
    %convert_element_type3A_703 = arith.truncf %max3A_702 : vector<1024x256xf32> to vector<1024x256xbf16>
    %jit3A_704 = arith.constant 0 : i32
    %convert_element_type3A_705 = arith.sitofp %jit3A_704 : i32 to bf16
    %pad3A_706 = vector.broadcast %convert_element_type3A_705 : bf16 to vector<2x256xbf16>
    %pad3A_707 = tpu.concatenate %pad3A_706, %convert_element_type3A_703 in 0 : vector<2x256xbf16>, vector<1024x256xbf16> -> vector<1026x256xbf16>
    %pad3A_708 = vector.broadcast %convert_element_type3A_705 : bf16 to vector<2x256xbf16>
    %pad3A_709 = tpu.concatenate %pad3A_707, %pad3A_708 in 0 : vector<1026x256xbf16>, vector<2x256xbf16> -> vector<1028x256xbf16>
    %slice3A_710 = vector.extract_strided_slice %pad3A_709 {offsets = [0, 0], sizes = [1024, 256], strides = [1, 1]} : vector<1028x256xbf16> to vector<1024x256xbf16>
    %slice3A_711 = vector.extract_strided_slice %pad3A_709 {offsets = [1, 0], sizes = [1024, 256], strides = [1, 1]} : vector<1028x256xbf16> to vector<1024x256xbf16>
    %slice3A_712 = vector.extract_strided_slice %pad3A_709 {offsets = [2, 0], sizes = [1024, 256], strides = [1, 1]} : vector<1028x256xbf16> to vector<1024x256xbf16>
    %slice3A_713 = vector.extract_strided_slice %pad3A_709 {offsets = [3, 0], sizes = [1024, 256], strides = [1, 1]} : vector<1028x256xbf16> to vector<1024x256xbf16>
    %slice3A_714 = vector.extract_strided_slice %pad3A_709 {offsets = [4, 0], sizes = [1024, 256], strides = [1, 1]} : vector<1028x256xbf16> to vector<1024x256xbf16>
    %concatenate3A_715 = tpu.concatenate %slice3A_710, %slice3A_711, %slice3A_712, %slice3A_713, %slice3A_714 in 1 : vector<1024x256xbf16>, vector<1024x256xbf16>, vector<1024x256xbf16>, vector<1024x256xbf16>, vector<1024x256xbf16> -> vector<1024x1280xbf16>
    %get3A_716 = arith.constant 0 : index
    %get3A_717 = arith.constant 0 : index
    %get3A_718 = arith.constant 0 : index
    %get3A_719 = vector.load %arg12[%get3A_716, %get3A_717, %get3A_718] : memref<5x256x80xf32, #tpu.memory_space<vmem>>, vector<5x256x80xf32>
    %reshape3A_720 = vector.shape_cast %get3A_719 : vector<5x256x80xf32> to vector<1280x80xf32>
    %convert_element_type3A_721 = arith.truncf %reshape3A_720 : vector<1280x80xf32> to vector<1280x80xbf16>
    %dot_general3A_722 = arith.constant dense<0.000000e+00> : vector<1024x80xf32>
    %dot_general3A_723 = tpu.matmul %concatenate3A_715, %convert_element_type3A_721, %dot_general3A_722 {dimension_numbers = #tpu.dot_dimension_numbers<[1], [0], [0], [1], [0, 0, 1, 1], [], []>, transpose_lhs_hint = false} : vector<1024x1280xbf16>, vector<1280x80xbf16>, vector<1024x80xf32> -> vector<1024x80xf32>
    %get3A_724 = arith.constant 0 : index
    %get3A_725 = vector.load %arg13[%get3A_724] : memref<80xf32, #tpu.memory_space<vmem>>, vector<80xf32>
    %broadcast_in_dim3A_726 = vector.shape_cast %get3A_725 : vector<80xf32> to vector<1x80xf32>
    %add3A_727 = vector.broadcast %broadcast_in_dim3A_726 : vector<1x80xf32> to vector<1024x80xf32>
    %add3A_728 = arith.addf %dot_general3A_723, %add3A_727 : vector<1024x80xf32>
    %transpose3A_729 = tpu.transpose %add3A_728, [1, 0] : vector<1024x80xf32> -> vector<80x1024xf32>
    %swap3A_730 = arith.constant 1 : index
    %swap3A_731 = arith.constant 0 : index
    %swap3A_732 = arith.constant 0 : index
    %swap3A_733 = vector.load %arg15[%swap3A_730, %swap3A_731, %swap3A_732] : memref<2x80x1024xf32, #tpu.memory_space<vmem>>, vector<1x80x1024xf32>
    %swap3A_734 = vector.shape_cast %swap3A_733 : vector<1x80x1024xf32> to vector<80x1024xf32>
    %swap3A_735 = vector.shape_cast %transpose3A_729 : vector<80x1024xf32> to vector<1x80x1024xf32>
    tpu.vector_store %arg15[%swap3A_730, %swap3A_731, %swap3A_732], %swap3A_735 {strides = array<i32>} : memref<2x80x1024xf32, #tpu.memory_space<vmem>>, vector<1x80x1024xf32>,
    %get3A_736 = arith.constant 0 : index
    %get3A_737 = arith.constant 0 : index
    %get3A_738 = vector.load %arg16[%get3A_736, %get3A_737] : memref<1x1xf32, #tpu.memory_space<vmem>>, vector<1x1xf32>
    %reshape3A_739 = vector.broadcast %add3A_387 : f32 to vector<1x1xf32>
    %add3A_740 = arith.addf %get3A_738, %reshape3A_739 : vector<1x1xf32>
    %swap3A_741 = arith.constant 0 : index
    %swap3A_742 = arith.constant 0 : index
    %swap3A_743 = vector.load %arg16[%swap3A_741, %swap3A_742] : memref<1x1xf32, #tpu.memory_space<vmem>>, vector<1x1xf32>
    tpu.vector_store %arg16[%swap3A_741, %swap3A_742], %add3A_740 {strides = array<i32>} : memref<1x1xf32, #tpu.memory_space<vmem>>, vector<1x1xf32>,
    %eq3A_744 = arith.constant 7 : i32
    %eq3A_745 = arith.cmpi eq, %arg0, %eq3A_744 : i32
    %convert_element_type3A_746 = arith.extui %eq3A_745 : i1 to i32
    %cond3A_747 = arith.constant 0 : i32
    %cond3A_748 = arith.cmpi ne, %convert_element_type3A_746, %cond3A_747 : i32
    scf.if %cond3A_748 {
      %get3A_749 = arith.constant 0 : index
      %get3A_750 = arith.constant 0 : index
      %get3A_751 = vector.load %arg16[%get3A_749, %get3A_750] : memref<1x1xf32, #tpu.memory_space<vmem>>, vector<1x1xf32>
      %div3A_752 = arith.constant 4.096000e+03 : f32
      %div3A_753 = vector.broadcast %div3A_752 : f32 to vector<1x1xf32>
      %div3A_754 = arith.divf %get3A_751, %div3A_753 : vector<1x1xf32>
      %swap3A_755 = arith.constant 0 : index
      %swap3A_756 = arith.constant 0 : index
      %swap3A_757 = vector.load %arg16[%swap3A_755, %swap3A_756] : memref<1x1xf32, #tpu.memory_space<vmem>>, vector<1x1xf32>
      tpu.vector_store %arg16[%swap3A_755, %swap3A_756], %div3A_754 {strides = array<i32>} : memref<1x1xf32, #tpu.memory_space<vmem>>, vector<1x1xf32>,
    } else {
    }
    return
  }
  func.func @transform_0(%arg0: i32) -> (i32, i32, i32) {
    %c0_i32 = arith.constant 0 : i32
    %c0_i32_0 = arith.constant 0 : i32
    %c0_i32_1 = arith.constant 0 : i32
    return %arg0, %c0_i32, %c0_i32_0 : i32, i32, i32
  }
  func.func @transform_1(%arg0: i32) -> (i32, i32, i32) {
    %c0_i32 = arith.constant 0 : i32
    %c0_i32_0 = arith.constant 0 : i32
    %c0_i32_1 = arith.constant 0 : i32
    return %arg0, %c0_i32, %c0_i32_0 : i32, i32, i32
  }
  func.func @transform_2(%arg0: i32) -> (i32, i32, i32) {
    %c0_i32 = arith.constant 0 : i32
    %c0_i32_0 = arith.constant 0 : i32
    %c0_i32_1 = arith.constant 0 : i32
    %c0_i32_2 = arith.constant 0 : i32
    return %c0_i32, %c0_i32_0, %c0_i32_1 : i32, i32, i32
  }
  func.func @transform_3(%arg0: i32) -> i32 {
    %c0_i32 = arith.constant 0 : i32
    %c0_i32_0 = arith.constant 0 : i32
    return %c0_i32 : i32
  }
  func.func @transform_4(%arg0: i32) -> i32 {
    %c0_i32 = arith.constant 0 : i32
    %c0_i32_0 = arith.constant 0 : i32
    return %c0_i32 : i32
  }
  func.func @transform_5(%arg0: i32) -> (i32, i32, i32) {
    %c0_i32 = arith.constant 0 : i32
    %c0_i32_0 = arith.constant 0 : i32
    %c0_i32_1 = arith.constant 0 : i32
    %c0_i32_2 = arith.constant 0 : i32
    return %c0_i32, %c0_i32_0, %c0_i32_1 : i32, i32, i32
  }
  func.func @transform_6(%arg0: i32) -> i32 {
    %c0_i32 = arith.constant 0 : i32
    %c0_i32_0 = arith.constant 0 : i32
    return %c0_i32 : i32
  }
  func.func @transform_7(%arg0: i32) -> i32 {
    %c0_i32 = arith.constant 0 : i32
    %c0_i32_0 = arith.constant 0 : i32
    return %c0_i32 : i32
  }
  func.func @transform_8(%arg0: i32) -> (i32, i32, i32) {
    %c0_i32 = arith.constant 0 : i32
    %c0_i32_0 = arith.constant 0 : i32
    %c0_i32_1 = arith.constant 0 : i32
    %c0_i32_2 = arith.constant 0 : i32
    return %c0_i32, %c0_i32_0, %c0_i32_1 : i32, i32, i32
  }
  func.func @transform_9(%arg0: i32) -> i32 {
    %c0_i32 = arith.constant 0 : i32
    %c0_i32_0 = arith.constant 0 : i32
    return %c0_i32 : i32
  }
  func.func @transform_10(%arg0: i32) -> i32 {
    %c0_i32 = arith.constant 0 : i32
    %c0_i32_0 = arith.constant 0 : i32
    return %c0_i32 : i32
  }
  func.func @transform_11(%arg0: i32) -> (i32, i32, i32) {
    %c0_i32 = arith.constant 0 : i32
    %c0_i32_0 = arith.constant 0 : i32
    %c0_i32_1 = arith.constant 0 : i32
    %c0_i32_2 = arith.constant 0 : i32
    return %c0_i32, %c0_i32_0, %c0_i32_1 : i32, i32, i32
  }
  func.func @transform_12(%arg0: i32) -> i32 {
    %c0_i32 = arith.constant 0 : i32
    %c0_i32_0 = arith.constant 0 : i32
    return %c0_i32 : i32
  }
  func.func @transform_13(%arg0: i32) -> (i32, i32) {
    %c0_i32 = arith.constant 0 : i32
    %c0_i32_0 = arith.constant 0 : i32
    %c0_i32_1 = arith.constant 0 : i32
    return %c0_i32, %c0_i32_0 : i32, i32
  }
  func.func @transform_14(%arg0: i32) -> (i32, i32, i32) {
    %c0_i32 = arith.constant 0 : i32
    %c0_i32_0 = arith.constant 0 : i32
    %c0_i32_1 = arith.constant 0 : i32
    return %arg0, %c0_i32, %c0_i32_0 : i32, i32, i32
  }
  func.func @transform_15(%arg0: i32) -> (i32, i32) {
    %c0_i32 = arith.constant 0 : i32
    %c0_i32_0 = arith.constant 0 : i32
    %c0_i32_1 = arith.constant 0 : i32
    return %c0_i32, %c0_i32_0 : i32, i32
  }
}

</mosaic_0001>

<sc_bundles>
// kernel: kernel.11.cloned.1.call-start
scs
__scs_entry_jumppad:
0x0: {  	(pc) =	sbr.rel $0x88, $3  }
0x1: {  	(tag) =	ssettag $0x0;
	lr =	simm.s32 $0x1  }
0x2: {  	[smem:$0x3F8A] =	sst lr;
	_ =	strace $0xD0000000  }
0x3: {  	_ = 	snop  }
0x4: {  	_ = 	snop  }
0x5: {  	_ = 	snop  }
0x6: {  	_ = 	snop  }
0x7: {  	_ = 	snop  }
__scs_overlays_trampoline_lowered:
0x8: {  	[smem:$0x3F99] =	sst s0  }
0x9: {  	[smem:$0x3F9A] =	sst s1  }
0xa: {  	[smem:$0x3F9B] =	sst s2  }
0xb: {  	[smem:$0x3F9C] =	sst s3  }
0xc: {  	[smem:$0x3F9D] =	sst s4  }
0xd: {  	[smem:$0x3F9E] =	sst s5  }
0xe: {  	[smem:$0x3F9F] =	sst s6  }
0xf: {  	[smem:$0x3FA0] =	sst s7  }
0x10: {  	[smem:$0x3FA1] =	sst s8  }
0x11: {  	[smem:$0x3FA2] =	sst s9;
	s0 =	simm.s32 @!p0 $0x0  }
0x12: {  	s1 =	sld [smem:$0x3F88];
	s0 =	simm.s32 @p0 $0x1  }
0x13: {  	[smem:$0x3FA3] =	sst s0;
	s0 =	simm.s32 @!p1 $0x0  }
0x14: {  	s2 =	sld [smem:$0x3F87];
	s0 =	simm.s32 @p1 $0x1  }
0x15: {  	[smem:$0x3FA4] =	sst s0;
	s0 =	simm.s32 @!p2 $0x0  }
0x16: {  	s3 =	sld [smem:$0x3FDB];
	s0 =	simm.s32 @p2 $0x1  }
0x17: {  	s4 =	simm.s32 $0x1BF5;
	[smem:$0x3FA6] =	sst s0  }
0x18: {  	s0 =	sld [smem:$0x3F89];
	_ =	swait.ge [sflag:s4], $0x0  }
0x19: {  	s7 =	sld [smem:$0x3F8A]  }
0x1a: {  	s8 =	sadd.s32 $0xFFFFE003, lr  }
0x1b: {  	s9 =	sadd.s32 $0xFFFFFEF7, lr;
	s5 =	simm.s32 $0xFFFFFFFF;
	p2 =	slt.u32 s8, $0xFFFFF086  }
0x1c: {  	p1 =	slt.u32 s9, $0xF7A;
	s5 =	simm.s32 @!p2 $0x0  }
0x1d: {  	s5 =	simm.s32 @p1 $0x1;
	p0 =	seq.s32 s7, s2  }
0x1e: {  	s7 =	smul.u32 @!p0 $0xF7A, s2;
	p2 =	seq.s32 @!p0 s5, $0x0  }
0x1f: {  	s9 =	smul.u32 $0xF7A, s1;
	s8 =	simm.s32 @!p0 $0x1BF5;
	p2 =	por !p2, p0  }
0x20: {  	[sflag:s8] =	ssyncset.s32 @!p0 $0xFFFFF086;
	s6 =	sadd.s32 @!p0 s3, s7;
	s7 =	simm.s32 @!p0 $0x108  }
0x21: {  	s3 =	sadd.s32 s3, s9;
	s6 =	sadd.s32 @!p0 $0x88, s6;
	s7 =	simm.s32 @p2 $0x1082  }
0x22: {  	[simem:s7], [sflag:s8] =	dma.local @!p0 [hbm:s6], $0xF7A  }
0x23: {  	s9 =	sor.u32 $0xD0000000, s2;
	s6 =	simm.s32 $0x108;
	_ =	swait.ge @!p0 [sflag:s8], $0x0  }
0x24: {  	s3 =	sadd.s32 $0x88, s3;
	s6 =	simm.s32 @!p1 $0x1082;
	[sflag:s4] =	ssyncset.s32 $0xFFFFF086  }
0x25: {  	[simem:s6], [sflag:s4] =	dma.local [hbm:s3], $0xF7A  }
0x26: {  	[smem:$0x3F8A] =	sst s1;
	(tag) =	ssettag s2;
	_ =	strace s9  }
0x27: {  	s1 =	sld [smem:$0x3F9A]  }
0x28: {  	s2 =	sld [smem:$0x3F9B]  }
0x29: {  	s4 =	sld [smem:$0x3F9D]  }
0x2a: {  	p0 =	seq.s32 s5, $0x0;
	s5 =	sld [smem:$0x3F9E]  }
0x2b: {  	s6 =	sld [smem:$0x3F9F]  }
0x2c: {  	s7 =	sld [smem:$0x3FA0]  }
0x2d: {  	s3 =	simm.s32 $0x108;
	s8 =	sld [smem:$0x3FA1]  }
0x2e: {  	s3 =	simm.s32 @!p0 $0x1082;
	s9 =	sld [smem:$0x3FA2]  }
0x2f: {  	lr =	sadd.s32 s0, s3;
	s0 =	sld [smem:$0x3F99]  }
0x30: {  	s3 =	sld [smem:$0x3F9C]  }
0x31: {  	[smem:$0x3FA5] =	sst s10  }
0x32: {  	s10 =	sld [smem:$0x3FA3];
	_ =	sdelay $0x3  }
0x33: {  	p0 =	seq.s32 s10, $0x1;
	s10 =	sld [smem:$0x3FA5];
	_ =	sdelay $0x3  }
0x34: {  	[smem:$0x3FA5] =	sst s10  }
0x35: {  	s10 =	sld [smem:$0x3FA4];
	_ =	sdelay $0x3  }
0x36: {  	p1 =	seq.s32 s10, $0x1;
	s10 =	sld [smem:$0x3FA5];
	_ =	sdelay $0x3  }
0x37: {  	[smem:$0x3FA5] =	sst s10  }
0x38: {  	s10 =	sld [smem:$0x3FA6]  }
0x39: {  	_ = 	snop;
	(pc) =	sbr.ind lr, $3  }
0x3a: {  	_ = 	snop  }
0x3b: {  	_ = 	snop  }
0x3c: {  	p2 =	seq.s32 s10, $0x1;
	s10 =	sld [smem:$0x3FA5]  }
0x3d: {  	_ =	shalt  }
0x3e: {  	_ =	shalt  }
0x3f: {  	_ =	shalt  }
0x40: {  	_ =	shalt  }
0x41: {  	_ =	shalt  }
0x42: {  	_ =	shalt  }
0x43: {  	_ =	shalt  }
0x44: {  	_ =	shalt  }
0x45: {  	_ =	shalt  }
0x46: {  	_ =	shalt  }
0x47: {  	_ =	shalt  }
0x48: {  	_ =	shalt  }
0x49: {  	_ =	shalt  }
0x4a: {  	_ =	shalt  }
0x4b: {  	_ =	shalt  }
0x4c: {  	_ =	shalt  }
0x4d: {  	_ =	shalt  }
0x4e: {  	_ =	shalt  }
0x4f: {  	_ =	shalt  }
0x50: {  	_ =	shalt  }
0x51: {  	_ =	shalt  }
0x52: {  	_ =	shalt  }
0x53: {  	_ =	shalt  }
0x54: {  	_ =	shalt  }
0x55: {  	_ =	shalt  }
0x56: {  	_ =	shalt  }
0x57: {  	_ =	shalt  }
0x58: {  	_ =	shalt  }
0x59: {  	_ =	shalt  }
0x5a: {  	_ =	shalt  }
0x5b: {  	_ =	shalt  }
0x5c: {  	_ =	shalt  }
0x5d: {  	_ =	shalt  }
0x5e: {  	_ =	shalt  }
0x5f: {  	_ =	shalt  }
0x60: {  	_ =	shalt  }
0x61: {  	_ =	shalt  }
0x62: {  	_ =	shalt  }
0x63: {  	_ =	shalt  }
0x64: {  	_ =	shalt  }
0x65: {  	_ =	shalt  }
0x66: {  	_ =	shalt  }
0x67: {  	_ =	shalt  }
0x68: {  	_ =	shalt  }
0x69: {  	_ =	shalt  }
0x6a: {  	_ =	shalt  }
0x6b: {  	_ =	shalt  }
0x6c: {  	_ =	shalt  }
0x6d: {  	_ =	shalt  }
0x6e: {  	_ =	shalt  }
0x6f: {  	_ =	shalt  }
0x70: {  	_ =	shalt  }
0x71: {  	_ =	shalt  }
0x72: {  	_ =	shalt  }
0x73: {  	_ =	shalt  }
0x74: {  	_ =	shalt  }
0x75: {  	_ =	shalt  }
0x76: {  	_ =	shalt  }
0x77: {  	_ =	shalt  }
0x78: {  	_ =	shalt  }
0x79: {  	_ =	shalt  }
0x7a: {  	_ =	shalt  }
0x7b: {  	_ =	shalt  }
0x7c: {  	_ =	shalt  }
0x7d: {  	_ =	shalt  }
0x7e: {  	_ =	shalt  }
0x7f: {  	_ =	shalt  }
0x80: {  	_ =	shalt  }
0x81: {  	_ =	shalt  }
0x82: {  	_ =	shalt  }
0x83: {  	_ =	shalt  }
0x84: {  	_ =	shalt  }
0x85: {  	_ =	shalt  }
0x86: {  	_ =	shalt  }
0x87: {  	_ =	shalt  }
.Lfunc_end0:
.L_simem_size_0:
called_computation.1_lowered:
.L_overlay_start_0:
0x88: {  	s2 =	sld [smem:$0x3FD9]  }
0x89: {  	s3 =	sld [smem:$0x3FFE];
	_ =	sdelay $0x1  }
0x8a: {  	s1 =	srdreg.scid  }
0x8b: {  	s0 =	sand.u32 $0x1, s1  }
0x8c: {  	s16 =	sshll.u32 s0, $0xA;
	s2 =	sadd.s32 s3, s2  }
0x8d: {  	s2 =	sadd.s32 s2, s16  }
0x8e: {  	[smem:$0x3FB1] =	sst s2  }
0x8f: {  	_ = 	snop  }
0x90: {  	(tm) =	ssettm $0x1  }
0x91: {  	s17 =	sld [smem:$0x3FFB];
	_ =	sdelay $0x3  }
0x92: {  	_ =	strace s17  }
0x93: {  	s2 =	sld [smem:$0x3FFC];
	_ =	sdelay $0x3  }
0x94: {  	_ =	strace s2  }
0x95: {  	s2 =	sld [smem:$0x3FFD];
	_ =	sdelay $0x3  }
0x96: {  	_ =	strace s2  }
0x97: {  	_ =	strace $0x8FFFFFFF  }
0x98: {  	s18 =	sld [smem:$0x3FDB];
	_ =	sdelay $0x1  }
0x99: {  	s19 =	simm.s32 $_scs_section_size  }
0x9a: {  	s4 =	simm.s32 $_size__tile_overlayer_lowered;
	s5 =	simm.s32 $_tile_overlayer_lowered  }
0x9b: {  	s22 =	simm.s32 $0x1BFF;
	s21 =	sshll.u32 s5, $0x1;
	s2 =	sadd.s32 s19, s18  }
0x9c: {  	s6 =	simm.s32 $0x0;
	s20 =	sshll.u32 s4, $0x1;
	s4 =	sadd.s32 s21, s2  }
0x9d: {  	[timem:s6], [sflag:s22] =	dma.local [hbm:s4], s20  }
0x9e: {  	_ =	swait.ge [sflag:s22], s20  }
0x9f: {  	s3 =	ssub.s32 $0x0, s20;
	[sflag:s22] =	ssyncset.done $0x0  }
0xa0: {  	[sflag:s22] =	ssyncadd.s32 s3;
	_ =	sdelay $0x1  }
0xa1: {  	s23 =	simm.s32 $0x1B8B  }
0xa2: {  	_ =	swait.ge [sflag:s23], $0x1  }
0xa3: {  	[sflag:s23] =	ssyncset.done $0x0  }
0xa4: {  	s25 =	simm.s32 $0x1B8E;
	s24 =	sld [smem:$0x3FFE];
	[sflag:s23] =	ssyncadd.s32 $0xFFFFFFFF  }
0xa5: {  	s26 =	simm.s32 $execute0_lowered;
	[smem:$0x3FD2] =	sst s25  }
0xa6: {  	s4 =	sshll.u32 s26, $0x1;
	_ =	strace $0x80000049;
	[dreg:$0x1] =	wrdreg $0xFFFFFFFF  }
0xa7: {  	s28 =	simm.s32 $_size_execute0_lowered;
	s2 =	sadd.s32 s2, s4;
	[dreg:$0x0] =	wrdreg $0x0  }
0xa8: {  	s4 =	sshll.u32 s28, $0x1;
	[dreg:$0x2] =	wrdreg s2  }
0xa9: {  	[dreg:$0x3] =	wrdreg s4  }
0xaa: {  	[dreg:$0x4] =	wrdreg $0xC0  }
0xab: {  	_ =	task [dreg:s6], $0x5FFFF  }
0xac: {  	[dreg:$0x1] =	wrdreg $0xFFFFFFFF  }
0xad: {  	[dreg:$0x0] =	wrdreg $0x60  }
0xae: {  	[dreg:$0x2] =	wrdreg s24  }
0xaf: {  	[dreg:$0x3] =	wrdreg $0x9  }
0xb0: {  	_ =	task.clear_ibuf [dreg:s6], $0x4FFFF;
	_ =	strace $0x90000049  }
0xb1: {  	s29 =	simm.s32 $0x9;
	_ =	strace $0x8000004B  }
0xb2: {  	_ =	swait.ge [sflag:s29], $0x1  }
0xb3: {  	[sflag:s29] =	ssyncadd.s32 $0xFFFFFFFF  }
0xb4: {  	_ =	strace $0x9000004B  }
0xb5: {  	_ =	sfence  }
0xb6: {  	s30 =	sld [smem:$0x0];
	_ =	sdelay $0x2  }
0xb7: {  	s31 =	sshll.u32 s1, $0xD;
	s1 =	sshrl.u32 s1, $0x2  }
0xb8: {  	s3 =	sand.u32 $0x4000, s31;
	s1 =	sadd.s32 s1, s30  }
0xb9: {  	s0 =	sor.u32 s3, s0;
	s1 =	sshll.u32 s1, $0x11  }
0xba: {  	s0 =	sor.u32 s1, s0  }
0xbb: {  	s0 =	sadd.s32 $0x8F2B, s0  }
0xbc: {  	[sflag:s0] =	ssyncadd.remote.s32 $0x1  }
0xbd: {  	_ =	sfence.sel $0xFFFF  }
0xbe: {  	[dreg:$0x0] =	wrdreg $0xFFFFFFFF;
	(pc) =	sbr.abs _section_cstart, $3  }
0xbf: {  	[dreg:$0x1] =	wrdreg $0xFFFFFFFF  }
0xc0: {  	_ =	task.clear_ibuf [dreg:s6], $0x2FFFF;
	_ =	strace $0x9FFFFFFF  }
0xc1: {  	(tm) =	ssettm $0x7FFFFFFF  }
tec
execute0_lowered:
.L_overlay_start_1:
0x0: {  	(tag) =	ssettag $0x1  }
0x1: {  	s1 =	srdreg.scid  }
0x2: {  	s0 =	stileid.u32;
	s6 =	sand.u32 $0x1, s1  }
0x3: {  	s8 =	rddreg [dreg:$0x0];
	s30 =	sshll.u32 s0, $0x8;
	s2 =	sshll.u32 s6, $0x7  }
0x4: {  	s7 =	simm.s32 $0x1;
	s1 =	rddreg [dreg:$0x1];
	s9 =	sor.u32 s2, s30  }
0x5: {  	s5 =	sadd.s32 $0x4000, s8;
	s2 =	simm.s32 $0x0;
	s3 =	sshrl.u32 s9, $0x3  }
0x6: {  	s10 =	ssub.s32 $0x2, s6;
	[smem:$0x7FF] =	sst s2;
	s3 =	sadd.s32 s3, s8  }
0x7: {  	_ =	strace $0x8000004A;
	s4 =	sadd.s32 $0x3E00, s3;
	s3 =	simm.s32 $0x2  }
0x8: {  	[tilespmem:s2], [sflag:$0x2] =	stream.linear.gather [hbm4b:s4+s2], $0x80, $0x38;
	[tilespmem:$0x4080] =	vst v63  }
0x9: {  	s6 =	simm.s32 $0x80;
	s11 =	sshrl.u32 s10, $0x1;
	_ =	swait.ge [sflag:s3], $0x80  }
0xa: {  	s9 =	sshll.u32 s9, $0x4;
	s31 =	ssub.s32 s10, s11;
	[sflag:s3] =	ssyncset.done $0x0  }
0xb: {  	s8 =	sadd.s32 s9, s8;
	s9 =	smax.u32 s31, $0x1;
	[sflag:s3] =	ssyncadd.s32 $0xFFFFFF80  }
0xc: {  	[tilespmem:s6], [sflag:$0x1] =	stream.indirect.gather [hbm4b:s5+s6], $0x80, s2, s6, $0xb8;
	[tilespmem:$0x4080] =	vst v63  }
0xd: {  	p0 =	sne.s32 s9, $0x1;
	_ =	swait.ge [sflag:s7], $0x4000  }
.Ltmp0:
0xe: {  	[sflag:s7] =	ssyncset.done $0x0;
	(pc) =	sbr.rel @!p0 .LBB2_2-.Ltmp0, $4  }
0xf: {  	s8 =	sadd.s32 $0x6000, s8;
	[sflag:s7] =	ssyncadd.s32 $0xFFFFC000  }
0x10: {  	[hbm4b:s8+s2] =	stream.linear.scatter [tilespmem:s6], [sflag:$0x2], $0x4000, $0x38;
	[tilespmem:$0x4080] =	vst v63  }
0x11: {  	_ =	swait.ge [sflag:s3], $0x4000  }
0x12: {  	s9 =	sadd.s32 $0xFFFFFFFF, s9;
	[sflag:s3] =	ssyncset.done $0x0  }
.LBB2_1:
0x13: {  	p0 =	sne.s32 s9, $0x1;
	s9 =	sadd.s32 $0xFFFFFFFF, s9;
	[sflag:s3] =	ssyncadd.s32 $0xFFFFC000  }
0x14: {  	[tilespmem:s2], [sflag:$0x2] =	stream.linear.gather [hbm4b:s4+s2], $0x80, $0x38;
	[tilespmem:$0x4080] =	vst v63  }
0x15: {  	_ =	swait.ge [sflag:s3], $0x80  }
0x16: {  	[sflag:s3] =	ssyncset.done $0x0  }
0x17: {  	[sflag:s3] =	ssyncadd.s32 $0xFFFFFF80  }
0x18: {  	[tilespmem:s6], [sflag:$0x1] =	stream.indirect.gather [hbm4b:s5+s6], $0x80, s2, s6, $0xb8;
	[tilespmem:$0x4080] =	vst v63  }
0x19: {  	_ =	swait.ge [sflag:s7], $0x4000  }
.Ltmp1:
0x1a: {  	[sflag:s7] =	ssyncset.done $0x0;
	(pc) =	sbr.rel @p0 .LBB2_1-.Ltmp1, $4  }
0x1b: {  	[sflag:s7] =	ssyncadd.s32 $0xFFFFC000  }
0x1c: {  	[hbm4b:s8+s2] =	stream.linear.scatter [tilespmem:s6], [sflag:$0x2], $0x4000, $0x38;
	[tilespmem:$0x4080] =	vst v63  }
0x1d: {  	_ =	swait.ge [sflag:s3], $0x4000  }
0x1e: {  	[sflag:s3] =	ssyncset.done $0x0  }
.LBB2_2:
0x1f: {  	[sflag:s3] =	ssyncadd.s32 $0xFFFFC000  }
0x20: {  	_ =	sfence.sel $0x180000  }
0x21: {  	[bflag:$0x0] =	sbarrier.arrive $0xFFFF  }
0x22: {  	p0 =	sne.s32 s0, $0x0;
	_ =	strace $0x9000004A  }
0x23: {  	s0 =	sadd.s32 @!p0 $0x100000, s1;
	[bflag:$0x2] =	sbarrier.arrive $0xFFFF  }
0x24: {  	[sflag:s0] =	ssyncadd.tile.s32 @!p0 $0x1;
	_ =	shalt  }
.Lfunc_end2:
_tile_overlayer_lowered:
.L_overlay_start_2:
0x25: {  	(tag) =	ssettag $0x2  }
0x26: {  	s0 =	rddreg [dreg:$0x0];
	s2 =	stileid.u32  }
0x27: {  	s1 =	rddreg [dreg:$0x1];
	p0 =	sne.s32 s2, $0x0  }
0x28: {  	s3 =	rddreg [dreg:$0x2];
	[bflag:$0x3] =	sbarrier.arrive $0xFFFF;
	s2 =	simm.s32 @!p0 $0x1C02  }
0x29: {  	[timem:s3], [sflag:s2] =	dma.local @!p0 [hbm:s0], s1  }
0x2a: {  	s0 =	simm.s32 @!p0 $0x2  }
0x2b: {  	_ =	swait.ge @!p0 [sflag:s0], s1  }
0x2c: {  	s1 =	ssub.s32 @!p0 $0x0, s1;
	[sflag:s0] =	ssyncset.done @!p0 $0x0  }
0x2d: {  	[sflag:s0] =	ssyncadd.s32 @!p0 s1  }
0x2e: {  	[bflag:$0x3] =	sbarrier.arrive $0xFFFF  }
0x2f: {  	_ =	shalt  }

// kernel: kernel.8.cloned.1.call-start
scs
__scs_entry_jumppad:
0x0: {  	(pc) =	sbr.rel $0x88, $3  }
0x1: {  	(tag) =	ssettag $0x0;
	lr =	simm.s32 $0x1  }
0x2: {  	[smem:$0x3F8A] =	sst lr;
	_ =	strace $0xD0000000  }
0x3: {  	_ = 	snop  }
0x4: {  	_ = 	snop  }
0x5: {  	_ = 	snop  }
0x6: {  	_ = 	snop  }
0x7: {  	_ = 	snop  }
__scs_overlays_trampoline_lowered:
0x8: {  	[smem:$0x3F99] =	sst s0  }
0x9: {  	[smem:$0x3F9A] =	sst s1  }
0xa: {  	[smem:$0x3F9B] =	sst s2  }
0xb: {  	[smem:$0x3F9C] =	sst s3  }
0xc: {  	[smem:$0x3F9D] =	sst s4  }
0xd: {  	[smem:$0x3F9E] =	sst s5  }
0xe: {  	[smem:$0x3F9F] =	sst s6  }
0xf: {  	[smem:$0x3FA0] =	sst s7  }
0x10: {  	[smem:$0x3FA1] =	sst s8  }
0x11: {  	[smem:$0x3FA2] =	sst s9;
	s0 =	simm.s32 @!p0 $0x0  }
0x12: {  	s1 =	sld [smem:$0x3F88];
	s0 =	simm.s32 @p0 $0x1  }
0x13: {  	[smem:$0x3FA3] =	sst s0;
	s0 =	simm.s32 @!p1 $0x0  }
0x14: {  	s2 =	sld [smem:$0x3F87];
	s0 =	simm.s32 @p1 $0x1  }
0x15: {  	[smem:$0x3FA4] =	sst s0;
	s0 =	simm.s32 @!p2 $0x0  }
0x16: {  	s3 =	sld [smem:$0x3FDB];
	s0 =	simm.s32 @p2 $0x1  }
0x17: {  	s4 =	simm.s32 $0x1BF5;
	[smem:$0x3FA6] =	sst s0  }
0x18: {  	s0 =	sld [smem:$0x3F89];
	_ =	swait.ge [sflag:s4], $0x0  }
0x19: {  	s7 =	sld [smem:$0x3F8A]  }
0x1a: {  	s8 =	sadd.s32 $0xFFFFE003, lr  }
0x1b: {  	s9 =	sadd.s32 $0xFFFFFEF7, lr;
	s5 =	simm.s32 $0xFFFFFFFF;
	p2 =	slt.u32 s8, $0xFFFFF086  }
0x1c: {  	p1 =	slt.u32 s9, $0xF7A;
	s5 =	simm.s32 @!p2 $0x0  }
0x1d: {  	s5 =	simm.s32 @p1 $0x1;
	p0 =	seq.s32 s7, s2  }
0x1e: {  	s7 =	smul.u32 @!p0 $0xF7A, s2;
	p2 =	seq.s32 @!p0 s5, $0x0  }
0x1f: {  	s9 =	smul.u32 $0xF7A, s1;
	s8 =	simm.s32 @!p0 $0x1BF5;
	p2 =	por !p2, p0  }
0x20: {  	[sflag:s8] =	ssyncset.s32 @!p0 $0xFFFFF086;
	s6 =	sadd.s32 @!p0 s3, s7;
	s7 =	simm.s32 @!p0 $0x108  }
0x21: {  	s3 =	sadd.s32 s3, s9;
	s6 =	sadd.s32 @!p0 $0x88, s6;
	s7 =	simm.s32 @p2 $0x1082  }
0x22: {  	[simem:s7], [sflag:s8] =	dma.local @!p0 [hbm:s6], $0xF7A  }
0x23: {  	s9 =	sor.u32 $0xD0000000, s2;
	s6 =	simm.s32 $0x108;
	_ =	swait.ge @!p0 [sflag:s8], $0x0  }
0x24: {  	s3 =	sadd.s32 $0x88, s3;
	s6 =	simm.s32 @!p1 $0x1082;
	[sflag:s4] =	ssyncset.s32 $0xFFFFF086  }
0x25: {  	[simem:s6], [sflag:s4] =	dma.local [hbm:s3], $0xF7A  }
0x26: {  	[smem:$0x3F8A] =	sst s1;
	(tag) =	ssettag s2;
	_ =	strace s9  }
0x27: {  	s1 =	sld [smem:$0x3F9A]  }
0x28: {  	s2 =	sld [smem:$0x3F9B]  }
0x29: {  	s4 =	sld [smem:$0x3F9D]  }
0x2a: {  	p0 =	seq.s32 s5, $0x0;
	s5 =	sld [smem:$0x3F9E]  }
0x2b: {  	s6 =	sld [smem:$0x3F9F]  }
0x2c: {  	s7 =	sld [smem:$0x3FA0]  }
0x2d: {  	s3 =	simm.s32 $0x108;
	s8 =	sld [smem:$0x3FA1]  }
0x2e: {  	s3 =	simm.s32 @!p0 $0x1082;
	s9 =	sld [smem:$0x3FA2]  }
0x2f: {  	lr =	sadd.s32 s0, s3;
	s0 =	sld [smem:$0x3F99]  }
0x30: {  	s3 =	sld [smem:$0x3F9C]  }
0x31: {  	[smem:$0x3FA5] =	sst s10  }
0x32: {  	s10 =	sld [smem:$0x3FA3];
	_ =	sdelay $0x3  }
0x33: {  	p0 =	seq.s32 s10, $0x1;
	s10 =	sld [smem:$0x3FA5];
	_ =	sdelay $0x3  }
0x34: {  	[smem:$0x3FA5] =	sst s10  }
0x35: {  	s10 =	sld [smem:$0x3FA4];
	_ =	sdelay $0x3  }
0x36: {  	p1 =	seq.s32 s10, $0x1;
	s10 =	sld [smem:$0x3FA5];
	_ =	sdelay $0x3  }
0x37: {  	[smem:$0x3FA5] =	sst s10  }
0x38: {  	s10 =	sld [smem:$0x3FA6]  }
0x39: {  	_ = 	snop;
	(pc) =	sbr.ind lr, $3  }
0x3a: {  	_ = 	snop  }
0x3b: {  	_ = 	snop  }
0x3c: {  	p2 =	seq.s32 s10, $0x1;
	s10 =	sld [smem:$0x3FA5]  }
0x3d: {  	_ =	shalt  }
0x3e: {  	_ =	shalt  }
0x3f: {  	_ =	shalt  }
0x40: {  	_ =	shalt  }
0x41: {  	_ =	shalt  }
0x42: {  	_ =	shalt  }
0x43: {  	_ =	shalt  }
0x44: {  	_ =	shalt  }
0x45: {  	_ =	shalt  }
0x46: {  	_ =	shalt  }
0x47: {  	_ =	shalt  }
0x48: {  	_ =	shalt  }
0x49: {  	_ =	shalt  }
0x4a: {  	_ =	shalt  }
0x4b: {  	_ =	shalt  }
0x4c: {  	_ =	shalt  }
0x4d: {  	_ =	shalt  }
0x4e: {  	_ =	shalt  }
0x4f: {  	_ =	shalt  }
0x50: {  	_ =	shalt  }
0x51: {  	_ =	shalt  }
0x52: {  	_ =	shalt  }
0x53: {  	_ =	shalt  }
0x54: {  	_ =	shalt  }
0x55: {  	_ =	shalt  }
0x56: {  	_ =	shalt  }
0x57: {  	_ =	shalt  }
0x58: {  	_ =	shalt  }
0x59: {  	_ =	shalt  }
0x5a: {  	_ =	shalt  }
0x5b: {  	_ =	shalt  }
0x5c: {  	_ =	shalt  }
0x5d: {  	_ =	shalt  }
0x5e: {  	_ =	shalt  }
0x5f: {  	_ =	shalt  }
0x60: {  	_ =	shalt  }
0x61: {  	_ =	shalt  }
0x62: {  	_ =	shalt  }
0x63: {  	_ =	shalt  }
0x64: {  	_ =	shalt  }
0x65: {  	_ =	shalt  }
0x66: {  	_ =	shalt  }
0x67: {  	_ =	shalt  }
0x68: {  	_ =	shalt  }
0x69: {  	_ =	shalt  }
0x6a: {  	_ =	shalt  }
0x6b: {  	_ =	shalt  }
0x6c: {  	_ =	shalt  }
0x6d: {  	_ =	shalt  }
0x6e: {  	_ =	shalt  }
0x6f: {  	_ =	shalt  }
0x70: {  	_ =	shalt  }
0x71: {  	_ =	shalt  }
0x72: {  	_ =	shalt  }
0x73: {  	_ =	shalt  }
0x74: {  	_ =	shalt  }
0x75: {  	_ =	shalt  }
0x76: {  	_ =	shalt  }
0x77: {  	_ =	shalt  }
0x78: {  	_ =	shalt  }
0x79: {  	_ =	shalt  }
0x7a: {  	_ =	shalt  }
0x7b: {  	_ =	shalt  }
0x7c: {  	_ =	shalt  }
0x7d: {  	_ =	shalt  }
0x7e: {  	_ =	shalt  }
0x7f: {  	_ =	shalt  }
0x80: {  	_ =	shalt  }
0x81: {  	_ =	shalt  }
0x82: {  	_ =	shalt  }
0x83: {  	_ =	shalt  }
0x84: {  	_ =	shalt  }
0x85: {  	_ =	shalt  }
0x86: {  	_ =	shalt  }
0x87: {  	_ =	shalt  }
.Lfunc_end0:
.L_simem_size_0:
called_computation_lowered:
.L_overlay_start_0:
0x88: {  	s2 =	sld [smem:$0x3FD9]  }
0x89: {  	s3 =	sld [smem:$0x3FFE];
	_ =	sdelay $0x1  }
0x8a: {  	s1 =	srdreg.scid  }
0x8b: {  	s0 =	sand.u32 $0x1, s1  }
0x8c: {  	s14 =	sshll.u32 s0, $0xA;
	s2 =	sadd.s32 s3, s2  }
0x8d: {  	s2 =	sadd.s32 s2, s14  }
0x8e: {  	[smem:$0x3FB1] =	sst s2  }
0x8f: {  	_ = 	snop  }
0x90: {  	s2 =	sld [smem:$0x3FD0];
	_ =	sdelay $0x2  }
0x91: {  	s15 =	simm.s32 $0xA;
	s4 =	simm.s32 $0x10  }
0x92: {  	[smem:s4], [sflag:s15] =	dma.local [hbm:s2], $0x1  }
0x93: {  	_ =	swait.eq [sflag:s15], $0x1  }
0x94: {  	[sflag:s15] =	ssyncset.done $0x0  }
0x95: {  	[sflag:s15] =	ssyncadd.s32 $0xFFFFFFFF  }
0x96: {  	s16 =	sld [smem:$0x10];
	(tm) =	ssettm $0x1  }
0x97: {  	s17 =	sld [smem:$0x3FFB];
	_ =	sdelay $0x3  }
0x98: {  	_ =	strace s17  }
0x99: {  	s3 =	sld [smem:$0x3FFC];
	_ =	sdelay $0x3  }
0x9a: {  	_ =	strace s3  }
0x9b: {  	s3 =	sld [smem:$0x3FFD];
	_ =	sdelay $0x3  }
0x9c: {  	_ =	strace s3  }
0x9d: {  	_ =	strace $0x8FFFFFFF  }
0x9e: {  	s18 =	sld [smem:$0x3FDB];
	_ =	sdelay $0x1  }
0x9f: {  	s19 =	simm.s32 $_scs_section_size  }
0xa0: {  	s5 =	simm.s32 $_size__tile_overlayer_lowered;
	s6 =	simm.s32 $_tile_overlayer_lowered  }
0xa1: {  	s22 =	simm.s32 $0x1BFF;
	s21 =	sshll.u32 s6, $0x1;
	s3 =	sadd.s32 s19, s18  }
0xa2: {  	s7 =	simm.s32 $0x0;
	s20 =	sshll.u32 s5, $0x1;
	s5 =	sadd.s32 s21, s3  }
0xa3: {  	[timem:s7], [sflag:s22] =	dma.local [hbm:s5], s20  }
0xa4: {  	_ =	swait.ge [sflag:s22], s20  }
0xa5: {  	s4 =	ssub.s32 $0x0, s20;
	[sflag:s22] =	ssyncset.done $0x0  }
0xa6: {  	[sflag:s22] =	ssyncadd.s32 s4;
	_ =	sdelay $0x1  }
0xa7: {  	s23 =	simm.s32 $0x1B8B  }
0xa8: {  	_ =	swait.ge [sflag:s23], $0x1  }
0xa9: {  	[sflag:s23] =	ssyncset.done $0x0  }
0xaa: {  	s25 =	simm.s32 $0x1B8E;
	s24 =	sld [smem:$0x3FFE];
	[sflag:s23] =	ssyncadd.s32 $0xFFFFFFFF  }
0xab: {  	s26 =	simm.s32 $execute0_lowered;
	[smem:$0x3FD2] =	sst s25  }
0xac: {  	s5 =	sshll.u32 s26, $0x1;
	_ =	strace $0x80000046;
	[dreg:$0x1] =	wrdreg $0xFFFFFFFF  }
0xad: {  	s28 =	simm.s32 $_size_execute0_lowered;
	s3 =	sadd.s32 s3, s5;
	[dreg:$0x0] =	wrdreg $0x0  }
0xae: {  	s5 =	sshll.u32 s28, $0x1;
	[dreg:$0x2] =	wrdreg s3  }
0xaf: {  	[dreg:$0x3] =	wrdreg s5  }
0xb0: {  	[dreg:$0x4] =	wrdreg $0xC0  }
0xb1: {  	_ =	task [dreg:s7], $0x5FFFF  }
0xb2: {  	[dreg:$0x1] =	wrdreg $0xFFFFFFFF  }
0xb3: {  	[dreg:$0x0] =	wrdreg $0x60  }
0xb4: {  	[dreg:$0x2] =	wrdreg s24  }
0xb5: {  	[dreg:$0x3] =	wrdreg s16  }
0xb6: {  	[dreg:$0x4] =	wrdreg $0x50800  }
0xb7: {  	[dreg:$0x5] =	wrdreg $0x9  }
0xb8: {  	_ =	task.clear_ibuf [dreg:s7], $0x6FFFF;
	_ =	strace $0x90000046  }
0xb9: {  	s29 =	simm.s32 $0x9;
	_ =	strace $0x80000048  }
0xba: {  	_ =	swait.ge [sflag:s29], $0x1  }
0xbb: {  	[sflag:s29] =	ssyncadd.s32 $0xFFFFFFFF  }
0xbc: {  	_ =	strace $0x90000048  }
0xbd: {  	_ =	sfence  }
0xbe: {  	s30 =	sld [smem:$0x0];
	_ =	sdelay $0x2  }
0xbf: {  	s31 =	sshll.u32 s1, $0xD;
	s1 =	sshrl.u32 s1, $0x2  }
0xc0: {  	s3 =	sand.u32 $0x4000, s31;
	s1 =	sadd.s32 s1, s30  }
0xc1: {  	s0 =	sor.u32 s3, s0;
	s1 =	sshll.u32 s1, $0x11  }
0xc2: {  	s0 =	sor.u32 s1, s0  }
0xc3: {  	s0 =	sadd.s32 $0x8F2B, s0  }
0xc4: {  	[sflag:s0] =	ssyncadd.remote.s32 $0x1  }
0xc5: {  	_ =	sfence.sel $0xFFFF  }
0xc6: {  	[dreg:$0x0] =	wrdreg $0xFFFFFFFF;
	(pc) =	sbr.abs _section_cstart, $3  }
0xc7: {  	[dreg:$0x1] =	wrdreg $0xFFFFFFFF  }
0xc8: {  	_ =	task.clear_ibuf [dreg:s7], $0x2FFFF;
	_ =	strace $0x9FFFFFFF  }
0xc9: {  	(tm) =	ssettm $0x7FFFFFFF  }
tec
execute0_lowered:
.L_overlay_start_1:
0x0: {  	(tag) =	ssettag $0x1  }
0x1: {  	s13 =	rddreg [dreg:$0x0]  }
0x2: {  	s10 =	rddreg [dreg:$0x1]  }
0x3: {  	s1 =	rddreg [dreg:$0x2]  }
0x4: {  	s0 =	rddreg [dreg:$0x3];
	s3 =	simm.s32 $0x0;
	s4 =	srdreg.scid  }
0x5: {  	s2 =	stileid.u32;
	s7 =	simm.s32 $0x1;
	[smem:$0x7FF] =	sst s3  }
0x6: {  	s12 =	sand.u32 $0x1, s4;
	s9 =	sshll.u32 s2, $0x8;
	s14 =	sshll.u32 s2, $0x9  }
0x7: {  	s30 =	sshll.u32 s2, $0xC;
	s6 =	sshll.u32 s2, $0x6;
	_ =	strace $0x80000047  }
0x8: {  	s11 =	sshll.u32 s12, $0x7;
	s5 =	sadd.s32 s14, s13;
	s4 =	sadd.s32 s30, s1  }
0x9: {  	s6 =	sor.u32 $0x1C01, s6;
	s5 =	sadd.s32 $0x4000, s5;
	s8 =	sshrl.u32 s4, $0x3  }
0xa: {  	[spmem:s8], [sflag:s6] =	dma.local [hbm:s5], $0x200  }
0xb: {  	s11 =	sor.u32 s11, s9;
	_ =	swait.ge [sflag:s7], $0x200  }
0xc: {  	s9 =	sshrl.u32 s11, $0x3;
	[sflag:s7] =	ssyncset.done $0x0  }
0xd: {  	s9 =	sadd.s32 s9, s13;
	[sflag:s7] =	ssyncadd.s32 $0xFFFFFE00  }
0xe: {  	s9 =	sadd.s32 $0x3E00, s9;
	[bflag:$0x0] =	sbarrier.arrive $0xFFFF  }
0xf: {  	[tilespmem:s3], [sflag:$0x1] =	stream.linear.gather [hbm4b:s9+s3], $0x80, $0x38;
	[tilespmem:$0x6080] =	vst v63  }
0x10: {  	_ =	swait.ge [sflag:s7], $0x80  }
0x11: {  	s11 =	sshll.u32 s11, $0x4;
	[sflag:s7] =	ssyncset.done $0x0  }
0x12: {  	s10 =	sadd.s32 s10, s11;
	s11 =	simm.s32 $0x80;
	[sflag:s7] =	ssyncadd.s32 $0xFFFFFF80  }
0x13: {  	[tilespmem:s11], [sflag:$0x1] =	stream.linear.gather [hbm4b:s10+s3], $0x4000, $0x38;
	[tilespmem:$0x6080] =	vst v63  }
0x14: {  	_ =	swait.ge [sflag:s7], $0x4000  }
0x15: {  	[sflag:s7] =	ssyncset.done $0x0  }
0x16: {  	[sflag:s7] =	ssyncadd.s32 $0xFFFFC000  }
0x17: {  	[spmem:s1] =	stream.indirect.scatter.add.f32 [tilespmem:s11], [sflag:$0x1], $0x80, s3, s11, $0xb8;
	[tilespmem:$0x6080] =	vst v63  }
0x18: {  	s16 =	ssub.s32 $0x2, s12;
	_ =	swait.ge [sflag:s7], $0x4000  }
0x19: {  	s15 =	sshll.u32 s12, $0xD;
	s31 =	sshrl.u32 s16, $0x1;
	[sflag:s7] =	ssyncset.done $0x0  }
0x1a: {  	s13 =	sadd.s32 s15, s13;
	s15 =	ssub.s32 s16, s31;
	[sflag:s7] =	ssyncadd.s32 $0xFFFFC000  }
0x1b: {  	s12 =	simm.s32 $0x4080;
	s15 =	smax.u32 s15, $0x1;
	[bflag:$0x0] =	sbarrier.arrive $0xFFFF  }
0x1c: {  	[tilespmem:s12], [sflag:$0x1] =	stream.linear.gather [spmem:s4], $0x1000, $0x38;
	[tilespmem:$0x6080] =	vst v63  }
0x1d: {  	p0 =	sne.s32 s15, $0x1;
	_ =	swait.ge [sflag:s7], $0x1000  }
.Ltmp0:
0x1e: {  	s13 =	sadd.s32 $0x6000, s13;
	[sflag:s7] =	ssyncset.done $0x0;
	(pc) =	sbr.rel @!p0 .LBB2_2-.Ltmp0, $4  }
0x1f: {  	s13 =	sadd.s32 s14, s13;
	[sflag:s7] =	ssyncadd.s32 $0xFFFFF000  }
0x20: {  	[hbm4b:s13+s3] =	stream.linear.scatter [tilespmem:s12], [sflag:$0x1], $0x1000, $0x38;
	[tilespmem:$0x6080] =	vst v63  }
0x21: {  	_ =	swait.ge [sflag:s7], $0x1000  }
0x22: {  	s14 =	sadd.s32 $0xFFFFFFFF, s15;
	[sflag:s7] =	ssyncset.done $0x0  }
.LBB2_1:
0x23: {  	p0 =	sne.s32 s14, $0x1;
	s14 =	sadd.s32 $0xFFFFFFFF, s14;
	[sflag:s7] =	ssyncadd.s32 $0xFFFFF000  }
0x24: {  	[spmem:s8], [sflag:s6] =	dma.local [hbm:s5], $0x200  }
0x25: {  	_ =	swait.ge [sflag:s7], $0x200  }
0x26: {  	[sflag:s7] =	ssyncset.done $0x0  }
0x27: {  	[sflag:s7] =	ssyncadd.s32 $0xFFFFFE00  }
0x28: {  	[bflag:$0x0] =	sbarrier.arrive $0xFFFF  }
0x29: {  	[tilespmem:s3], [sflag:$0x1] =	stream.linear.gather [hbm4b:s9+s3], $0x80, $0x38;
	[tilespmem:$0x6080] =	vst v63  }
0x2a: {  	_ =	swait.ge [sflag:s7], $0x80  }
0x2b: {  	[sflag:s7] =	ssyncset.done $0x0  }
0x2c: {  	[sflag:s7] =	ssyncadd.s32 $0xFFFFFF80  }
0x2d: {  	[tilespmem:s11], [sflag:$0x1] =	stream.linear.gather [hbm4b:s10+s3], $0x4000, $0x38;
	[tilespmem:$0x6080] =	vst v63  }
0x2e: {  	_ =	swait.ge [sflag:s7], $0x4000  }
0x2f: {  	[sflag:s7] =	ssyncset.done $0x0  }
0x30: {  	[sflag:s7] =	ssyncadd.s32 $0xFFFFC000  }
0x31: {  	[spmem:s1] =	stream.indirect.scatter.add.f32 [tilespmem:s11], [sflag:$0x1], $0x80, s3, s11, $0xb8;
	[tilespmem:$0x6080] =	vst v63  }
0x32: {  	_ =	swait.ge [sflag:s7], $0x4000  }
0x33: {  	[sflag:s7] =	ssyncset.done $0x0  }
0x34: {  	[sflag:s7] =	ssyncadd.s32 $0xFFFFC000  }
0x35: {  	[bflag:$0x0] =	sbarrier.arrive $0xFFFF  }
0x36: {  	[tilespmem:s12], [sflag:$0x1] =	stream.linear.gather [spmem:s4], $0x1000, $0x38;
	[tilespmem:$0x6080] =	vst v63  }
0x37: {  	_ =	swait.ge [sflag:s7], $0x1000  }
.Ltmp1:
0x38: {  	[sflag:s7] =	ssyncset.done $0x0;
	(pc) =	sbr.rel @p0 .LBB2_1-.Ltmp1, $4  }
0x39: {  	[sflag:s7] =	ssyncadd.s32 $0xFFFFF000  }
0x3a: {  	[hbm4b:s13+s3] =	stream.linear.scatter [tilespmem:s12], [sflag:$0x1], $0x1000, $0x38;
	[tilespmem:$0x6080] =	vst v63  }
0x3b: {  	_ =	swait.ge [sflag:s7], $0x1000  }
0x3c: {  	[sflag:s7] =	ssyncset.done $0x0  }
.LBB2_2:
0x3d: {  	[sflag:s7] =	ssyncadd.s32 $0xFFFFF000  }
0x3e: {  	_ =	sfence.sel $0x180000  }
0x3f: {  	[bflag:$0x0] =	sbarrier.arrive $0xFFFF  }
0x40: {  	p0 =	sne.s32 s2, $0x0;
	_ =	strace $0x90000047  }
0x41: {  	s0 =	sadd.s32 @!p0 $0x100000, s0;
	[bflag:$0x2] =	sbarrier.arrive $0xFFFF  }
0x42: {  	[sflag:s0] =	ssyncadd.tile.s32 @!p0 $0x1;
	_ =	shalt  }
.Lfunc_end2:
_tile_overlayer_lowered:
.L_overlay_start_2:
0x43: {  	(tag) =	ssettag $0x2  }
0x44: {  	s0 =	rddreg [dreg:$0x0];
	s2 =	stileid.u32  }
0x45: {  	s1 =	rddreg [dreg:$0x1];
	p0 =	sne.s32 s2, $0x0  }
0x46: {  	s3 =	rddreg [dreg:$0x2];
	[bflag:$0x3] =	sbarrier.arrive $0xFFFF;
	s2 =	simm.s32 @!p0 $0x1C01  }
0x47: {  	[timem:s3], [sflag:s2] =	dma.local @!p0 [hbm:s0], s1  }
0x48: {  	s0 =	simm.s32 @!p0 $0x1  }
0x49: {  	_ =	swait.ge @!p0 [sflag:s0], s1  }
0x4a: {  	s1 =	ssub.s32 @!p0 $0x0, s1;
	[sflag:s0] =	ssyncset.done @!p0 $0x0  }
0x4b: {  	[sflag:s0] =	ssyncadd.s32 @!p0 s1  }
0x4c: {  	[bflag:$0x3] =	sbarrier.arrive $0xFFFF  }
0x4d: {  	_ =	shalt  }

</sc_bundles>
